<compile_context>
chip_gen: v7x
topology: tpu7x:2x2x1
jax: 0.10.2.dev20260603
libtpu: 0.0.44.dev20260713+nightly
codegen_flags: <defaults>
</compile_context>

<pallas_src>
import functools
import math

import jax
import jax.numpy as jnp
from jax import lax
from jax.experimental import pallas as pl
from jax.experimental.pallas import tpu as pltpu
from jax.experimental.pallas import tpu_sc as plsc

D_MODEL = 1024
SCALE = math.sqrt(D_MODEL)

NUM_CORES = 2
NUM_SUBCORES = 16
LANES = 16
NUM_WORKERS = NUM_CORES * NUM_SUBCORES

CHUNK = 8
NBUF = 4


def _sc_embed(x2d, table):
    n_seq, seq_len = x2d.shape
    b_total = n_seq * seq_len
    b_per_w = b_total // NUM_WORKERS
    w_per_seq = seq_len // b_per_w
    n_chunks = b_per_w // CHUNK
    n_groups = n_chunks // NBUF
    n_vec = CHUNK * D_MODEL // LANES
    col_mask = D_MODEL // LANES - 1

    mesh = plsc.VectorSubcoreMesh(
        core_axis_name="c",
        subcore_axis_name="s",
        num_cores=NUM_CORES,
        num_subcores=NUM_SUBCORES,
    )

    @functools.partial(
        pl.kernel,
        mesh=mesh,
        out_type=jax.ShapeDtypeStruct((n_seq, seq_len, D_MODEL), jnp.float32),
        scratch_types=[
            pltpu.VMEM((b_per_w,), jnp.int32),
            [pltpu.VMEM((CHUNK, D_MODEL), jnp.float32) for _ in range(NBUF)],
            [pltpu.VMEM((CHUNK, D_MODEL), jnp.float32) for _ in range(NBUF)],
            [pltpu.SemaphoreType.DMA for _ in range(NBUF)],
            [pltpu.SemaphoreType.DMA for _ in range(NBUF)],
            pltpu.SemaphoreType.DMA,
        ],
    )
    def k(idx_hbm, table_hbm, out_hbm, idx_v, ins, outs, gsem, wsem, isem):
        wid = lax.axis_index("s") * NUM_CORES + lax.axis_index("c")
        seq_i = wid // w_per_seq
        col0 = (wid % w_per_seq) * b_per_w
        idx_head = b_per_w // 2
        pltpu.sync_copy(
            idx_hbm.at[seq_i, pl.ds(col0, idx_head)], idx_v.at[pl.ds(0, idx_head)]
        )

        def gather_start(g, b):
            pltpu.async_copy(
                table_hbm.at[idx_v.at[pl.ds(g * CHUNK, CHUNK)]], ins[b], gsem[b]
            )

        def gather_wait(g, b):
            pltpu.make_async_copy(
                table_hbm.at[idx_v.at[pl.ds(g * CHUNK, CHUNK)]], ins[b], gsem[b]
            ).wait()

        def write_start(g, b):
            pltpu.async_copy(
                outs[b], out_hbm.at[seq_i, pl.ds(col0 + g * CHUNK, CHUNK)],
                wsem[b],
            )

        def write_wait(g, b):
            pltpu.make_async_copy(
                outs[b], out_hbm.at[seq_i, pl.ds(col0 + g * CHUNK, CHUNK)],
                wsem[b],
            ).wait()

        def scale(b):
            src = ins[b]
            dst = outs[b]

            @plsc.parallel_loop(0, n_vec, unroll=8)
            def _(i):
                r = lax.shift_right_logical(i, 6)
                sl = pl.ds((i & col_mask) * LANES, LANES)
                dst[r, sl] = src[r, sl] * SCALE

        for b in range(NBUF):
            gather_start(b, b)
        tail_src = idx_hbm.at[seq_i, pl.ds(col0 + idx_head, b_per_w - idx_head)]
        tail_dst = idx_v.at[pl.ds(idx_head, b_per_w - idx_head)]
        pltpu.async_copy(tail_src, tail_dst, isem)

        pltpu.make_async_copy(tail_src, tail_dst, isem).wait()

        def body(grp, _):
            for b in range(NBUF):
                g = NBUF * grp + b
                gather_wait(g, b)

                @pl.when(grp > 0)
                def _():
                    write_wait(g - NBUF, b)

                scale(b)
                write_start(g, b)

                @pl.when(grp < n_groups - 1)
                def _():
                    gather_start(g + NBUF, b)

            return 0

        lax.fori_loop(0, n_groups, body, 0)

        for b in range(NBUF):
            write_wait(n_chunks - NBUF + b, b)

    return k(x2d, table)


def kernel(x, table):
    return _sc_embed(x.astype(jnp.int32), table)

# --- scband reference (transcript-rebuilt; emitter-appended) ---
"""Pipeline reference for scband-embeddings-69947837382996 (READ-ONLY COPY).

The authoritative reference and input builder live on the scoring server;
editing this copy changes nothing except your own understanding.
"""

import jax, jax.numpy as jnp
import numpy as np
import math

D_MODEL = 1024
VOCAB_SIZE = 100000

def setup_inputs(seed: int = 0) -> dict:
    key = jax.random.key(seed)
    k1, k2 = jax.random.split(key)
    x = jax.random.randint(k1, (4, 2048), 0, VOCAB_SIZE, dtype=jnp.int64 if jax.config.jax_enable_x64 else jnp.int32)
    table = jax.random.normal(k2, (VOCAB_SIZE, D_MODEL), dtype=jnp.float32)
    return {"x": x, "table": table}

def reference(x, table):
    # Embeddings.forward: embedding lookup scaled by sqrt(d_model)
    d_model_sqrt = math.sqrt(D_MODEL)
    out = jnp.take(table, x, axis=0) * d_model_sqrt
    return out

if __name__ == "__main__":
    import jax
    _d = setup_inputs()
    print(jax.jit(kernel)(*tuple(_d.values())))

</pallas_src>

<mosaic_0001>
#map = affine_map<(d0, d1) -> (0, 0)>
#map1 = affine_map<(d0, d1) -> (0, 0, 0)>
module attributes {stable_mosaic.version = 14 : i64} {
  func.func @k(%arg0: i32, %arg1: i32, %arg2: memref<4x2048xi32, #tpu.memory_space<hbm>>, %arg3: memref<100000x1024xf32, #tpu.memory_space<hbm>>, %arg4: memref<4x2048x1024xf32, #tpu.memory_space<hbm>>, %arg5: memref<256xi32, #tpu.memory_space<vmem>>, %arg6: memref<8x1024xf32, #tpu.memory_space<vmem>>, %arg7: memref<8x1024xf32, #tpu.memory_space<vmem>>, %arg8: memref<8x1024xf32, #tpu.memory_space<vmem>>, %arg9: memref<8x1024xf32, #tpu.memory_space<vmem>>, %arg10: memref<8x1024xf32, #tpu.memory_space<vmem>>, %arg11: memref<8x1024xf32, #tpu.memory_space<vmem>>, %arg12: memref<8x1024xf32, #tpu.memory_space<vmem>>, %arg13: memref<8x1024xf32, #tpu.memory_space<vmem>>, %arg14: memref<!tpu.dma_semaphore, #tpu.memory_space<semaphore_mem>>, %arg15: memref<!tpu.dma_semaphore, #tpu.memory_space<semaphore_mem>>, %arg16: memref<!tpu.dma_semaphore, #tpu.memory_space<semaphore_mem>>, %arg17: memref<!tpu.dma_semaphore, #tpu.memory_space<semaphore_mem>>, %arg18: memref<!tpu.dma_semaphore, #tpu.memory_space<semaphore_mem>>, %arg19: memref<!tpu.dma_semaphore, #tpu.memory_space<semaphore_mem>>, %arg20: memref<!tpu.dma_semaphore, #tpu.memory_space<semaphore_mem>>, %arg21: memref<!tpu.dma_semaphore, #tpu.memory_space<semaphore_mem>>, %arg22: memref<!tpu.dma_semaphore, #tpu.memory_space<semaphore_mem>>) attributes {dimension_semantics = [#tpu.dimension_semantics<core_parallel>, #tpu.dimension_semantics<subcore_parallel>], iteration_bounds = array<i64: 2, 16>, scalar_prefetch = 0 : i64, scratch_operands = 18 : i64, tpu.core_type = #tpu.core_type<sc_vector_subcore>, window_params = [{transform_indices = #map}, {transform_indices = #map}, {transform_indices = #map1}]} {
    %mul3A = arith.constant 2 : i32
    %mul3A_0 = arith.muli %arg1, %mul3A : i32
    %add3A = arith.addi %mul3A_0, %arg0 : i32
    %jit3A = arith.constant 8 : i32
    %div3A = arith.divsi %add3A, %jit3A : i32
    %sign3A = arith.constant 0 : i32
    %sign3A_1 = arith.cmpi sgt, %add3A, %sign3A : i32
    %sign3A_2 = arith.extui %sign3A_1 : i1 to i32
    %sign3A_3 = arith.constant 0 : i32
    %sign3A_4 = arith.cmpi slt, %add3A, %sign3A_3 : i32
    %sign3A_5 = arith.extui %sign3A_4 : i1 to i32
    %sign3A_6 = arith.subi %sign3A_2, %sign3A_5 : i32
    %sign3A_7 = arith.constant 0 : i32
    %sign3A_8 = arith.cmpi sgt, %jit3A, %sign3A_7 : i32
    %sign3A_9 = arith.extui %sign3A_8 : i1 to i32
    %sign3A_10 = arith.constant 0 : i32
    %sign3A_11 = arith.cmpi slt, %jit3A, %sign3A_10 : i32
    %sign3A_12 = arith.extui %sign3A_11 : i1 to i32
    %sign3A_13 = arith.subi %sign3A_9, %sign3A_12 : i32
    %ne3A = arith.cmpi ne, %sign3A_6, %sign3A_13 : i32
    %rem3A = arith.remsi %add3A, %jit3A : i32
    %ne3A_14 = arith.constant 0 : i32
    %ne3A_15 = arith.cmpi ne, %rem3A, %ne3A_14 : i32
    %and3A = arith.andi %ne3A, %ne3A_15 : i1
    %sub3A = arith.constant 1 : i32
    %sub3A_16 = arith.subi %div3A, %sub3A : i32
    %select_n3A = arith.select %and3A, %sub3A_16, %div3A : i32
    %jit3A_17 = arith.constant 8 : i32
    %eq3A = arith.constant 0 : i32
    %eq3A_18 = arith.cmpi eq, %jit3A_17, %eq3A : i32
    %jit3A_19 = arith.constant 1 : i32
    %select_n3A_20 = arith.select %eq3A_18, %jit3A_19, %jit3A_17 : i32
    %rem3A_21 = arith.remsi %add3A, %select_n3A_20 : i32
    %ne3A_22 = arith.constant 0 : i32
    %ne3A_23 = arith.cmpi ne, %rem3A_21, %ne3A_22 : i32
    %lt3A = arith.constant 0 : i32
    %lt3A_24 = arith.cmpi slt, %rem3A_21, %lt3A : i32
    %lt3A_25 = arith.constant 0 : i32
    %lt3A_26 = arith.cmpi slt, %select_n3A_20, %lt3A_25 : i32
    %ne3A_27 = arith.xori %lt3A_24, %lt3A_26 : i1
    %and3A_28 = arith.andi %ne3A_27, %ne3A_23 : i1
    %add3A_29 = arith.addi %rem3A_21, %select_n3A_20 : i32
    %select_n3A_30 = arith.select %and3A_28, %add3A_29, %rem3A_21 : i32
    %mul3A_31 = arith.constant 256 : i32
    %mul3A_32 = arith.muli %select_n3A_30, %mul3A_31 : i32
    "tpu.region"() ({
      %run_scoped3A = tpu.sem_alloc : memref<!tpu.dma_semaphore, #tpu.memory_space<semaphore_mem>>
      %dma_start3A_107 = arith.constant 0 : i32
      %dma_start3A_108 = tpu.memref_slice %arg5[%dma_start3A_107] : memref<256xi32, #tpu.memory_space<vmem>> -> memref<128xi32, #tpu.memory_space<vmem>>
      %dma_start3A_109 = tpu.memref_slice %arg2[%select_n3A, %mul3A_32] : memref<4x2048xi32, #tpu.memory_space<hbm>> -> memref<1x128xi32, #tpu.memory_space<hbm>>
      %dma_start3A_110 = tpu.memref_squeeze %dma_start3A_109 : memref<1x128xi32, #tpu.memory_space<hbm>> -> memref<128xi32, #tpu.memory_space<hbm>>
      %dma_start3A_111 = arith.constant 0 : i32
      %dma_start3A_112 = tpu.memref_slice %arg5[%dma_start3A_111] : memref<256xi32, #tpu.memory_space<vmem>> -> memref<128xi32, #tpu.memory_space<vmem>>
      %dma_start3A_113 = tpu.memref_slice %arg2[%select_n3A, %mul3A_32] : memref<4x2048xi32, #tpu.memory_space<hbm>> -> memref<1x128xi32, #tpu.memory_space<hbm>>
      %dma_start3A_114 = tpu.memref_squeeze %dma_start3A_113 : memref<1x128xi32, #tpu.memory_space<hbm>> -> memref<128xi32, #tpu.memory_space<hbm>>
      tpu.enqueue_dma source(%dma_start3A_114 : memref<128xi32, #tpu.memory_space<hbm>>) target(%dma_start3A_112 : memref<128xi32, #tpu.memory_space<vmem>>) target_semaphore(%run_scoped3A : memref<!tpu.dma_semaphore, #tpu.memory_space<semaphore_mem>>)
      %dma_wait3A_115 = arith.constant 0 : i32
      %dma_wait3A_116 = tpu.memref_slice %arg5[%dma_wait3A_115] : memref<256xi32, #tpu.memory_space<vmem>> -> memref<128xi32, #tpu.memory_space<vmem>>
      %dma_wait3A_117 = tpu.memref_slice %arg2[%select_n3A, %mul3A_32] : memref<4x2048xi32, #tpu.memory_space<hbm>> -> memref<1x128xi32, #tpu.memory_space<hbm>>
      %dma_wait3A_118 = tpu.memref_squeeze %dma_wait3A_117 : memref<1x128xi32, #tpu.memory_space<hbm>> -> memref<128xi32, #tpu.memory_space<hbm>>
      %dma_wait3A_119 = arith.constant 0 : i32
      %dma_wait3A_120 = tpu.memref_slice %arg5[%dma_wait3A_119] : memref<256xi32, #tpu.memory_space<vmem>> -> memref<128xi32, #tpu.memory_space<vmem>>
      %dma_wait3A_121 = tpu.memref_slice %arg2[%select_n3A, %mul3A_32] : memref<4x2048xi32, #tpu.memory_space<hbm>> -> memref<1x128xi32, #tpu.memory_space<hbm>>
      %dma_wait3A_122 = tpu.memref_squeeze %dma_wait3A_121 : memref<1x128xi32, #tpu.memory_space<hbm>> -> memref<128xi32, #tpu.memory_space<hbm>>
      tpu.wait_dma2 semaphore(%run_scoped3A : memref<!tpu.dma_semaphore, #tpu.memory_space<semaphore_mem>>) src(%dma_wait3A_122 : memref<128xi32, #tpu.memory_space<hbm>>) dst(%dma_wait3A_120 : memref<128xi32, #tpu.memory_space<vmem>>)
      tpu.yield
    }) : () -> ()
    %dma_start3A = arith.constant 0 : i32
    %dma_start3A_33 = tpu.memref_slice %arg5[%dma_start3A] : memref<256xi32, #tpu.memory_space<vmem>> -> memref<8xi32, #tpu.memory_space<vmem>>
    %dma_start3A_34 = arith.constant 0 : i32
    %dma_start3A_35 = arith.constant 0 : i32
    %dma_start3A_36 = tpu.memref_slice %arg3[%dma_start3A_34, %dma_start3A_35] : memref<100000x1024xf32, #tpu.memory_space<hbm>> -> memref<100000x1024xf32, #tpu.memory_space<hbm>>
    tpu.enqueue_indirect_dma source(%dma_start3A_36 : memref<100000x1024xf32, #tpu.memory_space<hbm>>) target(%arg6 : memref<8x1024xf32, #tpu.memory_space<vmem>>) offsets(%dma_start3A_33 : memref<8xi32, #tpu.memory_space<vmem>>) semaphore(%arg14 : memref<!tpu.dma_semaphore, #tpu.memory_space<semaphore_mem>>)
    %dma_start3A_37 = arith.constant 8 : i32
    %dma_start3A_38 = tpu.memref_slice %arg5[%dma_start3A_37] : memref<256xi32, #tpu.memory_space<vmem>> -> memref<8xi32, #tpu.memory_space<vmem>>
    %dma_start3A_39 = arith.constant 0 : i32
    %dma_start3A_40 = arith.constant 0 : i32
    %dma_start3A_41 = tpu.memref_slice %arg3[%dma_start3A_39, %dma_start3A_40] : memref<100000x1024xf32, #tpu.memory_space<hbm>> -> memref<100000x1024xf32, #tpu.memory_space<hbm>>
    tpu.enqueue_indirect_dma source(%dma_start3A_41 : memref<100000x1024xf32, #tpu.memory_space<hbm>>) target(%arg7 : memref<8x1024xf32, #tpu.memory_space<vmem>>) offsets(%dma_start3A_38 : memref<8xi32, #tpu.memory_space<vmem>>) semaphore(%arg15 : memref<!tpu.dma_semaphore, #tpu.memory_space<semaphore_mem>>)
    %dma_start3A_42 = arith.constant 16 : i32
    %dma_start3A_43 = tpu.memref_slice %arg5[%dma_start3A_42] : memref<256xi32, #tpu.memory_space<vmem>> -> memref<8xi32, #tpu.memory_space<vmem>>
    %dma_start3A_44 = arith.constant 0 : i32
    %dma_start3A_45 = arith.constant 0 : i32
    %dma_start3A_46 = tpu.memref_slice %arg3[%dma_start3A_44, %dma_start3A_45] : memref<100000x1024xf32, #tpu.memory_space<hbm>> -> memref<100000x1024xf32, #tpu.memory_space<hbm>>
    tpu.enqueue_indirect_dma source(%dma_start3A_46 : memref<100000x1024xf32, #tpu.memory_space<hbm>>) target(%arg8 : memref<8x1024xf32, #tpu.memory_space<vmem>>) offsets(%dma_start3A_43 : memref<8xi32, #tpu.memory_space<vmem>>) semaphore(%arg16 : memref<!tpu.dma_semaphore, #tpu.memory_space<semaphore_mem>>)
    %dma_start3A_47 = arith.constant 24 : i32
    %dma_start3A_48 = tpu.memref_slice %arg5[%dma_start3A_47] : memref<256xi32, #tpu.memory_space<vmem>> -> memref<8xi32, #tpu.memory_space<vmem>>
    %dma_start3A_49 = arith.constant 0 : i32
    %dma_start3A_50 = arith.constant 0 : i32
    %dma_start3A_51 = tpu.memref_slice %arg3[%dma_start3A_49, %dma_start3A_50] : memref<100000x1024xf32, #tpu.memory_space<hbm>> -> memref<100000x1024xf32, #tpu.memory_space<hbm>>
    tpu.enqueue_indirect_dma source(%dma_start3A_51 : memref<100000x1024xf32, #tpu.memory_space<hbm>>) target(%arg9 : memref<8x1024xf32, #tpu.memory_space<vmem>>) offsets(%dma_start3A_48 : memref<8xi32, #tpu.memory_space<vmem>>) semaphore(%arg17 : memref<!tpu.dma_semaphore, #tpu.memory_space<semaphore_mem>>)
    %add3A_52 = arith.constant 128 : i32
    %add3A_53 = arith.addi %mul3A_32, %add3A_52 : i32
    %dma_start3A_54 = arith.constant 128 : i32
    %dma_start3A_55 = tpu.memref_slice %arg5[%dma_start3A_54] : memref<256xi32, #tpu.memory_space<vmem>> -> memref<128xi32, #tpu.memory_space<vmem>>
    %dma_start3A_56 = tpu.memref_slice %arg2[%select_n3A, %add3A_53] : memref<4x2048xi32, #tpu.memory_space<hbm>> -> memref<1x128xi32, #tpu.memory_space<hbm>>
    %dma_start3A_57 = tpu.memref_squeeze %dma_start3A_56 : memref<1x128xi32, #tpu.memory_space<hbm>> -> memref<128xi32, #tpu.memory_space<hbm>>
    %dma_start3A_58 = arith.constant 128 : i32
    %dma_start3A_59 = tpu.memref_slice %arg5[%dma_start3A_58] : memref<256xi32, #tpu.memory_space<vmem>> -> memref<128xi32, #tpu.memory_space<vmem>>
    %dma_start3A_60 = tpu.memref_slice %arg2[%select_n3A, %add3A_53] : memref<4x2048xi32, #tpu.memory_space<hbm>> -> memref<1x128xi32, #tpu.memory_space<hbm>>
    %dma_start3A_61 = tpu.memref_squeeze %dma_start3A_60 : memref<1x128xi32, #tpu.memory_space<hbm>> -> memref<128xi32, #tpu.memory_space<hbm>>
    tpu.enqueue_dma source(%dma_start3A_61 : memref<128xi32, #tpu.memory_space<hbm>>) target(%dma_start3A_59 : memref<128xi32, #tpu.memory_space<vmem>>) target_semaphore(%arg22 : memref<!tpu.dma_semaphore, #tpu.memory_space<semaphore_mem>>)
    %dma_wait3A = arith.constant 128 : i32
    %dma_wait3A_62 = tpu.memref_slice %arg5[%dma_wait3A] : memref<256xi32, #tpu.memory_space<vmem>> -> memref<128xi32, #tpu.memory_space<vmem>>
    %dma_wait3A_63 = tpu.memref_slice %arg2[%select_n3A, %add3A_53] : memref<4x2048xi32, #tpu.memory_space<hbm>> -> memref<1x128xi32, #tpu.memory_space<hbm>>
    %dma_wait3A_64 = tpu.memref_squeeze %dma_wait3A_63 : memref<1x128xi32, #tpu.memory_space<hbm>> -> memref<128xi32, #tpu.memory_space<hbm>>
    %dma_wait3A_65 = arith.constant 128 : i32
    %dma_wait3A_66 = tpu.memref_slice %arg5[%dma_wait3A_65] : memref<256xi32, #tpu.memory_space<vmem>> -> memref<128xi32, #tpu.memory_space<vmem>>
    %dma_wait3A_67 = tpu.memref_slice %arg2[%select_n3A, %add3A_53] : memref<4x2048xi32, #tpu.memory_space<hbm>> -> memref<1x128xi32, #tpu.memory_space<hbm>>
    %dma_wait3A_68 = tpu.memref_squeeze %dma_wait3A_67 : memref<1x128xi32, #tpu.memory_space<hbm>> -> memref<128xi32, #tpu.memory_space<hbm>>
    tpu.wait_dma2 semaphore(%arg22 : memref<!tpu.dma_semaphore, #tpu.memory_space<semaphore_mem>>) src(%dma_wait3A_68 : memref<128xi32, #tpu.memory_space<hbm>>) dst(%dma_wait3A_66 : memref<128xi32, #tpu.memory_space<vmem>>)
    %scan3A = arith.constant 0 : i32
    %scan3A_69 = arith.constant 0 : i32
    %scan3A_70 = arith.constant 8 : i32
    %scan3A_71 = arith.addi %scan3A_69, %scan3A_70 : i32
    %scan3A_72 = arith.constant 1 : i32
    %scan3A_73 = scf.for %scan3A_107 = %scan3A_69 to %scan3A_71 step %scan3A_72 iter_args(%scan3A_108 = %scan3A) -> (i32)  : i32 {
      %mul3A_109 = arith.constant 4 : i32
      %mul3A_110 = arith.muli %mul3A_109, %scan3A_107 : i32
      %add3A_111 = arith.constant 0 : i32
      %add3A_112 = arith.addi %mul3A_110, %add3A_111 : i32
      %mul3A_113 = arith.constant 8 : i32
      %mul3A_114 = arith.muli %add3A_112, %mul3A_113 : i32
      %dma_wait3A_115 = tpu.memref_slice %arg5[%mul3A_114] : memref<256xi32, #tpu.memory_space<vmem>> -> memref<8xi32, #tpu.memory_space<vmem>>
      %dma_wait3A_116 = arith.constant 0 : i32
      %dma_wait3A_117 = arith.constant 0 : i32
      %dma_wait3A_118 = tpu.memref_slice %arg3[%dma_wait3A_116, %dma_wait3A_117] : memref<100000x1024xf32, #tpu.memory_space<hbm>> -> memref<100000x1024xf32, #tpu.memory_space<hbm>>
      tpu.wait_indirect_dma semaphore(%arg14 : memref<!tpu.dma_semaphore, #tpu.memory_space<semaphore_mem>>) src(%dma_wait3A_118 : memref<100000x1024xf32, #tpu.memory_space<hbm>>) dst(%arg6 : memref<8x1024xf32, #tpu.memory_space<vmem>>)
      %gt3A = arith.constant 0 : i32
      %gt3A_119 = arith.cmpi sgt, %scan3A_107, %gt3A : i32
      %convert_element_type3A = arith.extui %gt3A_119 : i1 to i32
      %cond3A = arith.constant 0 : i32
      %cond3A_120 = arith.cmpi ne, %convert_element_type3A, %cond3A : i32
      scf.if %cond3A_120 {
        %sub3A_234 = arith.constant 4 : i32
        %sub3A_235 = arith.subi %add3A_112, %sub3A_234 : i32
        %mul3A_236 = arith.constant 8 : i32
        %mul3A_237 = arith.muli %sub3A_235, %mul3A_236 : i32
        %add3A_238 = arith.addi %mul3A_32, %mul3A_237 : i32
        %dma_wait3A_239 = arith.constant 0 : i32
        %dma_wait3A_240 = tpu.memref_slice %arg4[%select_n3A, %add3A_238, %dma_wait3A_239] : memref<4x2048x1024xf32, #tpu.memory_space<hbm>> -> memref<1x8x1024xf32, #tpu.memory_space<hbm>>
        %dma_wait3A_241 = tpu.memref_squeeze %dma_wait3A_240 : memref<1x8x1024xf32, #tpu.memory_space<hbm>> -> memref<8x1024xf32, #tpu.memory_space<hbm>>
        %dma_wait3A_242 = arith.constant 0 : i32
        %dma_wait3A_243 = tpu.memref_slice %arg4[%select_n3A, %add3A_238, %dma_wait3A_242] : memref<4x2048x1024xf32, #tpu.memory_space<hbm>> -> memref<1x8x1024xf32, #tpu.memory_space<hbm>>
        %dma_wait3A_244 = tpu.memref_squeeze %dma_wait3A_243 : memref<1x8x1024xf32, #tpu.memory_space<hbm>> -> memref<8x1024xf32, #tpu.memory_space<hbm>>
        tpu.wait_dma2 semaphore(%arg18 : memref<!tpu.dma_semaphore, #tpu.memory_space<semaphore_mem>>) src(%arg10 : memref<8x1024xf32, #tpu.memory_space<vmem>>) dst(%dma_wait3A_244 : memref<8x1024xf32, #tpu.memory_space<hbm>>)
      } else {
      }
      %parallel_loop3A = arith.constant 0 : i32
      %parallel_loop3A_121 = arith.constant 512 : i32
      %parallel_loop3A_122 = arith.constant 1 : i32
      scf.for %parallel_loop3A_234 = %parallel_loop3A to %parallel_loop3A_121 step %parallel_loop3A_122  : i32 {
        %parallel_loop3A_235 = arith.constant 6 : i32
        %parallel_loop3A_236 = arith.shrui %parallel_loop3A_234, %parallel_loop3A_235 : i32
        %parallel_loop3A_237 = arith.constant 63 : i32
        %parallel_loop3A_238 = arith.andi %parallel_loop3A_234, %parallel_loop3A_237 : i32
        %parallel_loop3A_239 = arith.constant 16 : i32
        %parallel_loop3A_240 = arith.muli %parallel_loop3A_238, %parallel_loop3A_239 : i32
        %parallel_loop3A_241 = arith.index_cast %parallel_loop3A_236 : i32 to index
        %parallel_loop3A_242 = arith.index_cast %parallel_loop3A_240 : i32 to index
        %parallel_loop3A_243 = tpu.vector_load %arg6[%parallel_loop3A_241, %parallel_loop3A_242] {strides = array<i32>} : memref<8x1024xf32, #tpu.memory_space<vmem>>, vector<1x16xf32>,
        %parallel_loop3A_244 = vector.shape_cast %parallel_loop3A_243 : vector<1x16xf32> to vector<16xf32>
        %parallel_loop3A_245 = arith.constant 3.200000e+01 : f32
        %parallel_loop3A_246 = vector.broadcast %parallel_loop3A_245 : f32 to vector<16xf32>
        %parallel_loop3A_247 = arith.mulf %parallel_loop3A_244, %parallel_loop3A_246 : vector<16xf32>
        %parallel_loop3A_248 = arith.index_cast %parallel_loop3A_236 : i32 to index
        %parallel_loop3A_249 = arith.index_cast %parallel_loop3A_240 : i32 to index
        %parallel_loop3A_250 = tpu.vector_load %arg10[%parallel_loop3A_248, %parallel_loop3A_249] {strides = array<i32>} : memref<8x1024xf32, #tpu.memory_space<vmem>>, vector<1x16xf32>,
        %parallel_loop3A_251 = vector.shape_cast %parallel_loop3A_250 : vector<1x16xf32> to vector<16xf32>
        %parallel_loop3A_252 = vector.shape_cast %parallel_loop3A_247 : vector<16xf32> to vector<1x16xf32>
        tpu.vector_store %arg10[%parallel_loop3A_248, %parallel_loop3A_249], %parallel_loop3A_252 {strides = array<i32>} : memref<8x1024xf32, #tpu.memory_space<vmem>>, vector<1x16xf32>,
      } {sc.loop_unroll_factor = 8 : i64, sc.parallel_access}
      %mul3A_123 = arith.constant 8 : i32
      %mul3A_124 = arith.muli %add3A_112, %mul3A_123 : i32
      %add3A_125 = arith.addi %mul3A_32, %mul3A_124 : i32
      %dma_start3A_126 = arith.constant 0 : i32
      %dma_start3A_127 = tpu.memref_slice %arg4[%select_n3A, %add3A_125, %dma_start3A_126] : memref<4x2048x1024xf32, #tpu.memory_space<hbm>> -> memref<1x8x1024xf32, #tpu.memory_space<hbm>>
      %dma_start3A_128 = tpu.memref_squeeze %dma_start3A_127 : memref<1x8x1024xf32, #tpu.memory_space<hbm>> -> memref<8x1024xf32, #tpu.memory_space<hbm>>
      %dma_start3A_129 = arith.constant 0 : i32
      %dma_start3A_130 = tpu.memref_slice %arg4[%select_n3A, %add3A_125, %dma_start3A_129] : memref<4x2048x1024xf32, #tpu.memory_space<hbm>> -> memref<1x8x1024xf32, #tpu.memory_space<hbm>>
      %dma_start3A_131 = tpu.memref_squeeze %dma_start3A_130 : memref<1x8x1024xf32, #tpu.memory_space<hbm>> -> memref<8x1024xf32, #tpu.memory_space<hbm>>
      tpu.enqueue_dma source(%arg10 : memref<8x1024xf32, #tpu.memory_space<vmem>>) target(%dma_start3A_131 : memref<8x1024xf32, #tpu.memory_space<hbm>>) target_semaphore(%arg18 : memref<!tpu.dma_semaphore, #tpu.memory_space<semaphore_mem>>)
      %lt3A_132 = arith.constant 7 : i32
      %lt3A_133 = arith.cmpi slt, %scan3A_107, %lt3A_132 : i32
      %convert_element_type3A_134 = arith.extui %lt3A_133 : i1 to i32
      %cond3A_135 = arith.constant 0 : i32
      %cond3A_136 = arith.cmpi ne, %convert_element_type3A_134, %cond3A_135 : i32
      scf.if %cond3A_136 {
        %add3A_234 = arith.constant 4 : i32
        %add3A_235 = arith.addi %add3A_112, %add3A_234 : i32
        %mul3A_236 = arith.constant 8 : i32
        %mul3A_237 = arith.muli %add3A_235, %mul3A_236 : i32
        %dma_start3A_238 = tpu.memref_slice %arg5[%mul3A_237] : memref<256xi32, #tpu.memory_space<vmem>> -> memref<8xi32, #tpu.memory_space<vmem>>
        %dma_start3A_239 = arith.constant 0 : i32
        %dma_start3A_240 = arith.constant 0 : i32
        %dma_start3A_241 = tpu.memref_slice %arg3[%dma_start3A_239, %dma_start3A_240] : memref<100000x1024xf32, #tpu.memory_space<hbm>> -> memref<100000x1024xf32, #tpu.memory_space<hbm>>
        tpu.enqueue_indirect_dma source(%dma_start3A_241 : memref<100000x1024xf32, #tpu.memory_space<hbm>>) target(%arg6 : memref<8x1024xf32, #tpu.memory_space<vmem>>) offsets(%dma_start3A_238 : memref<8xi32, #tpu.memory_space<vmem>>) semaphore(%arg14 : memref<!tpu.dma_semaphore, #tpu.memory_space<semaphore_mem>>)
      } else {
      }
      %mul3A_137 = arith.constant 4 : i32
      %mul3A_138 = arith.muli %mul3A_137, %scan3A_107 : i32
      %add3A_139 = arith.constant 1 : i32
      %add3A_140 = arith.addi %mul3A_138, %add3A_139 : i32
      %mul3A_141 = arith.constant 8 : i32
      %mul3A_142 = arith.muli %add3A_140, %mul3A_141 : i32
      %dma_wait3A_143 = tpu.memref_slice %arg5[%mul3A_142] : memref<256xi32, #tpu.memory_space<vmem>> -> memref<8xi32, #tpu.memory_space<vmem>>
      %dma_wait3A_144 = arith.constant 0 : i32
      %dma_wait3A_145 = arith.constant 0 : i32
      %dma_wait3A_146 = tpu.memref_slice %arg3[%dma_wait3A_144, %dma_wait3A_145] : memref<100000x1024xf32, #tpu.memory_space<hbm>> -> memref<100000x1024xf32, #tpu.memory_space<hbm>>
      tpu.wait_indirect_dma semaphore(%arg15 : memref<!tpu.dma_semaphore, #tpu.memory_space<semaphore_mem>>) src(%dma_wait3A_146 : memref<100000x1024xf32, #tpu.memory_space<hbm>>) dst(%arg7 : memref<8x1024xf32, #tpu.memory_space<vmem>>)
      %gt3A_147 = arith.constant 0 : i32
      %gt3A_148 = arith.cmpi sgt, %scan3A_107, %gt3A_147 : i32
      %convert_element_type3A_149 = arith.extui %gt3A_148 : i1 to i32
      %cond3A_150 = arith.constant 0 : i32
      %cond3A_151 = arith.cmpi ne, %convert_element_type3A_149, %cond3A_150 : i32
      scf.if %cond3A_151 {
        %sub3A_234 = arith.constant 4 : i32
        %sub3A_235 = arith.subi %add3A_140, %sub3A_234 : i32
        %mul3A_236 = arith.constant 8 : i32
        %mul3A_237 = arith.muli %sub3A_235, %mul3A_236 : i32
        %add3A_238 = arith.addi %mul3A_32, %mul3A_237 : i32
        %dma_wait3A_239 = arith.constant 0 : i32
        %dma_wait3A_240 = tpu.memref_slice %arg4[%select_n3A, %add3A_238, %dma_wait3A_239] : memref<4x2048x1024xf32, #tpu.memory_space<hbm>> -> memref<1x8x1024xf32, #tpu.memory_space<hbm>>
        %dma_wait3A_241 = tpu.memref_squeeze %dma_wait3A_240 : memref<1x8x1024xf32, #tpu.memory_space<hbm>> -> memref<8x1024xf32, #tpu.memory_space<hbm>>
        %dma_wait3A_242 = arith.constant 0 : i32
        %dma_wait3A_243 = tpu.memref_slice %arg4[%select_n3A, %add3A_238, %dma_wait3A_242] : memref<4x2048x1024xf32, #tpu.memory_space<hbm>> -> memref<1x8x1024xf32, #tpu.memory_space<hbm>>
        %dma_wait3A_244 = tpu.memref_squeeze %dma_wait3A_243 : memref<1x8x1024xf32, #tpu.memory_space<hbm>> -> memref<8x1024xf32, #tpu.memory_space<hbm>>
        tpu.wait_dma2 semaphore(%arg19 : memref<!tpu.dma_semaphore, #tpu.memory_space<semaphore_mem>>) src(%arg11 : memref<8x1024xf32, #tpu.memory_space<vmem>>) dst(%dma_wait3A_244 : memref<8x1024xf32, #tpu.memory_space<hbm>>)
      } else {
      }
      %parallel_loop3A_152 = arith.constant 0 : i32
      %parallel_loop3A_153 = arith.constant 512 : i32
      %parallel_loop3A_154 = arith.constant 1 : i32
      scf.for %parallel_loop3A_234 = %parallel_loop3A_152 to %parallel_loop3A_153 step %parallel_loop3A_154  : i32 {
        %parallel_loop3A_235 = arith.constant 6 : i32
        %parallel_loop3A_236 = arith.shrui %parallel_loop3A_234, %parallel_loop3A_235 : i32
        %parallel_loop3A_237 = arith.constant 63 : i32
        %parallel_loop3A_238 = arith.andi %parallel_loop3A_234, %parallel_loop3A_237 : i32
        %parallel_loop3A_239 = arith.constant 16 : i32
        %parallel_loop3A_240 = arith.muli %parallel_loop3A_238, %parallel_loop3A_239 : i32
        %parallel_loop3A_241 = arith.index_cast %parallel_loop3A_236 : i32 to index
        %parallel_loop3A_242 = arith.index_cast %parallel_loop3A_240 : i32 to index
        %parallel_loop3A_243 = tpu.vector_load %arg7[%parallel_loop3A_241, %parallel_loop3A_242] {strides = array<i32>} : memref<8x1024xf32, #tpu.memory_space<vmem>>, vector<1x16xf32>,
        %parallel_loop3A_244 = vector.shape_cast %parallel_loop3A_243 : vector<1x16xf32> to vector<16xf32>
        %parallel_loop3A_245 = arith.constant 3.200000e+01 : f32
        %parallel_loop3A_246 = vector.broadcast %parallel_loop3A_245 : f32 to vector<16xf32>
        %parallel_loop3A_247 = arith.mulf %parallel_loop3A_244, %parallel_loop3A_246 : vector<16xf32>
        %parallel_loop3A_248 = arith.index_cast %parallel_loop3A_236 : i32 to index
        %parallel_loop3A_249 = arith.index_cast %parallel_loop3A_240 : i32 to index
        %parallel_loop3A_250 = tpu.vector_load %arg11[%parallel_loop3A_248, %parallel_loop3A_249] {strides = array<i32>} : memref<8x1024xf32, #tpu.memory_space<vmem>>, vector<1x16xf32>,
        %parallel_loop3A_251 = vector.shape_cast %parallel_loop3A_250 : vector<1x16xf32> to vector<16xf32>
        %parallel_loop3A_252 = vector.shape_cast %parallel_loop3A_247 : vector<16xf32> to vector<1x16xf32>
        tpu.vector_store %arg11[%parallel_loop3A_248, %parallel_loop3A_249], %parallel_loop3A_252 {strides = array<i32>} : memref<8x1024xf32, #tpu.memory_space<vmem>>, vector<1x16xf32>,
      } {sc.loop_unroll_factor = 8 : i64, sc.parallel_access}
      %mul3A_155 = arith.constant 8 : i32
      %mul3A_156 = arith.muli %add3A_140, %mul3A_155 : i32
      %add3A_157 = arith.addi %mul3A_32, %mul3A_156 : i32
      %dma_start3A_158 = arith.constant 0 : i32
      %dma_start3A_159 = tpu.memref_slice %arg4[%select_n3A, %add3A_157, %dma_start3A_158] : memref<4x2048x1024xf32, #tpu.memory_space<hbm>> -> memref<1x8x1024xf32, #tpu.memory_space<hbm>>
      %dma_start3A_160 = tpu.memref_squeeze %dma_start3A_159 : memref<1x8x1024xf32, #tpu.memory_space<hbm>> -> memref<8x1024xf32, #tpu.memory_space<hbm>>
      %dma_start3A_161 = arith.constant 0 : i32
      %dma_start3A_162 = tpu.memref_slice %arg4[%select_n3A, %add3A_157, %dma_start3A_161] : memref<4x2048x1024xf32, #tpu.memory_space<hbm>> -> memref<1x8x1024xf32, #tpu.memory_space<hbm>>
      %dma_start3A_163 = tpu.memref_squeeze %dma_start3A_162 : memref<1x8x1024xf32, #tpu.memory_space<hbm>> -> memref<8x1024xf32, #tpu.memory_space<hbm>>
      tpu.enqueue_dma source(%arg11 : memref<8x1024xf32, #tpu.memory_space<vmem>>) target(%dma_start3A_163 : memref<8x1024xf32, #tpu.memory_space<hbm>>) target_semaphore(%arg19 : memref<!tpu.dma_semaphore, #tpu.memory_space<semaphore_mem>>)
      %lt3A_164 = arith.constant 7 : i32
      %lt3A_165 = arith.cmpi slt, %scan3A_107, %lt3A_164 : i32
      %convert_element_type3A_166 = arith.extui %lt3A_165 : i1 to i32
      %cond3A_167 = arith.constant 0 : i32
      %cond3A_168 = arith.cmpi ne, %convert_element_type3A_166, %cond3A_167 : i32
      scf.if %cond3A_168 {
        %add3A_234 = arith.constant 4 : i32
        %add3A_235 = arith.addi %add3A_140, %add3A_234 : i32
        %mul3A_236 = arith.constant 8 : i32
        %mul3A_237 = arith.muli %add3A_235, %mul3A_236 : i32
        %dma_start3A_238 = tpu.memref_slice %arg5[%mul3A_237] : memref<256xi32, #tpu.memory_space<vmem>> -> memref<8xi32, #tpu.memory_space<vmem>>
        %dma_start3A_239 = arith.constant 0 : i32
        %dma_start3A_240 = arith.constant 0 : i32
        %dma_start3A_241 = tpu.memref_slice %arg3[%dma_start3A_239, %dma_start3A_240] : memref<100000x1024xf32, #tpu.memory_space<hbm>> -> memref<100000x1024xf32, #tpu.memory_space<hbm>>
        tpu.enqueue_indirect_dma source(%dma_start3A_241 : memref<100000x1024xf32, #tpu.memory_space<hbm>>) target(%arg7 : memref<8x1024xf32, #tpu.memory_space<vmem>>) offsets(%dma_start3A_238 : memref<8xi32, #tpu.memory_space<vmem>>) semaphore(%arg15 : memref<!tpu.dma_semaphore, #tpu.memory_space<semaphore_mem>>)
      } else {
      }
      %mul3A_169 = arith.constant 4 : i32
      %mul3A_170 = arith.muli %mul3A_169, %scan3A_107 : i32
      %add3A_171 = arith.constant 2 : i32
      %add3A_172 = arith.addi %mul3A_170, %add3A_171 : i32
      %mul3A_173 = arith.constant 8 : i32
      %mul3A_174 = arith.muli %add3A_172, %mul3A_173 : i32
      %dma_wait3A_175 = tpu.memref_slice %arg5[%mul3A_174] : memref<256xi32, #tpu.memory_space<vmem>> -> memref<8xi32, #tpu.memory_space<vmem>>
      %dma_wait3A_176 = arith.constant 0 : i32
      %dma_wait3A_177 = arith.constant 0 : i32
      %dma_wait3A_178 = tpu.memref_slice %arg3[%dma_wait3A_176, %dma_wait3A_177] : memref<100000x1024xf32, #tpu.memory_space<hbm>> -> memref<100000x1024xf32, #tpu.memory_space<hbm>>
      tpu.wait_indirect_dma semaphore(%arg16 : memref<!tpu.dma_semaphore, #tpu.memory_space<semaphore_mem>>) src(%dma_wait3A_178 : memref<100000x1024xf32, #tpu.memory_space<hbm>>) dst(%arg8 : memref<8x1024xf32, #tpu.memory_space<vmem>>)
      %gt3A_179 = arith.constant 0 : i32
      %gt3A_180 = arith.cmpi sgt, %scan3A_107, %gt3A_179 : i32
      %convert_element_type3A_181 = arith.extui %gt3A_180 : i1 to i32
      %cond3A_182 = arith.constant 0 : i32
      %cond3A_183 = arith.cmpi ne, %convert_element_type3A_181, %cond3A_182 : i32
      scf.if %cond3A_183 {
        %sub3A_234 = arith.constant 4 : i32
        %sub3A_235 = arith.subi %add3A_172, %sub3A_234 : i32
        %mul3A_236 = arith.constant 8 : i32
        %mul3A_237 = arith.muli %sub3A_235, %mul3A_236 : i32
        %add3A_238 = arith.addi %mul3A_32, %mul3A_237 : i32
        %dma_wait3A_239 = arith.constant 0 : i32
        %dma_wait3A_240 = tpu.memref_slice %arg4[%select_n3A, %add3A_238, %dma_wait3A_239] : memref<4x2048x1024xf32, #tpu.memory_space<hbm>> -> memref<1x8x1024xf32, #tpu.memory_space<hbm>>
        %dma_wait3A_241 = tpu.memref_squeeze %dma_wait3A_240 : memref<1x8x1024xf32, #tpu.memory_space<hbm>> -> memref<8x1024xf32, #tpu.memory_space<hbm>>
        %dma_wait3A_242 = arith.constant 0 : i32
        %dma_wait3A_243 = tpu.memref_slice %arg4[%select_n3A, %add3A_238, %dma_wait3A_242] : memref<4x2048x1024xf32, #tpu.memory_space<hbm>> -> memref<1x8x1024xf32, #tpu.memory_space<hbm>>
        %dma_wait3A_244 = tpu.memref_squeeze %dma_wait3A_243 : memref<1x8x1024xf32, #tpu.memory_space<hbm>> -> memref<8x1024xf32, #tpu.memory_space<hbm>>
        tpu.wait_dma2 semaphore(%arg20 : memref<!tpu.dma_semaphore, #tpu.memory_space<semaphore_mem>>) src(%arg12 : memref<8x1024xf32, #tpu.memory_space<vmem>>) dst(%dma_wait3A_244 : memref<8x1024xf32, #tpu.memory_space<hbm>>)
      } else {
      }
      %parallel_loop3A_184 = arith.constant 0 : i32
      %parallel_loop3A_185 = arith.constant 512 : i32
      %parallel_loop3A_186 = arith.constant 1 : i32
      scf.for %parallel_loop3A_234 = %parallel_loop3A_184 to %parallel_loop3A_185 step %parallel_loop3A_186  : i32 {
        %parallel_loop3A_235 = arith.constant 6 : i32
        %parallel_loop3A_236 = arith.shrui %parallel_loop3A_234, %parallel_loop3A_235 : i32
        %parallel_loop3A_237 = arith.constant 63 : i32
        %parallel_loop3A_238 = arith.andi %parallel_loop3A_234, %parallel_loop3A_237 : i32
        %parallel_loop3A_239 = arith.constant 16 : i32
        %parallel_loop3A_240 = arith.muli %parallel_loop3A_238, %parallel_loop3A_239 : i32
        %parallel_loop3A_241 = arith.index_cast %parallel_loop3A_236 : i32 to index
        %parallel_loop3A_242 = arith.index_cast %parallel_loop3A_240 : i32 to index
        %parallel_loop3A_243 = tpu.vector_load %arg8[%parallel_loop3A_241, %parallel_loop3A_242] {strides = array<i32>} : memref<8x1024xf32, #tpu.memory_space<vmem>>, vector<1x16xf32>,
        %parallel_loop3A_244 = vector.shape_cast %parallel_loop3A_243 : vector<1x16xf32> to vector<16xf32>
        %parallel_loop3A_245 = arith.constant 3.200000e+01 : f32
        %parallel_loop3A_246 = vector.broadcast %parallel_loop3A_245 : f32 to vector<16xf32>
        %parallel_loop3A_247 = arith.mulf %parallel_loop3A_244, %parallel_loop3A_246 : vector<16xf32>
        %parallel_loop3A_248 = arith.index_cast %parallel_loop3A_236 : i32 to index
        %parallel_loop3A_249 = arith.index_cast %parallel_loop3A_240 : i32 to index
        %parallel_loop3A_250 = tpu.vector_load %arg12[%parallel_loop3A_248, %parallel_loop3A_249] {strides = array<i32>} : memref<8x1024xf32, #tpu.memory_space<vmem>>, vector<1x16xf32>,
        %parallel_loop3A_251 = vector.shape_cast %parallel_loop3A_250 : vector<1x16xf32> to vector<16xf32>
        %parallel_loop3A_252 = vector.shape_cast %parallel_loop3A_247 : vector<16xf32> to vector<1x16xf32>
        tpu.vector_store %arg12[%parallel_loop3A_248, %parallel_loop3A_249], %parallel_loop3A_252 {strides = array<i32>} : memref<8x1024xf32, #tpu.memory_space<vmem>>, vector<1x16xf32>,
      } {sc.loop_unroll_factor = 8 : i64, sc.parallel_access}
      %mul3A_187 = arith.constant 8 : i32
      %mul3A_188 = arith.muli %add3A_172, %mul3A_187 : i32
      %add3A_189 = arith.addi %mul3A_32, %mul3A_188 : i32
      %dma_start3A_190 = arith.constant 0 : i32
      %dma_start3A_191 = tpu.memref_slice %arg4[%select_n3A, %add3A_189, %dma_start3A_190] : memref<4x2048x1024xf32, #tpu.memory_space<hbm>> -> memref<1x8x1024xf32, #tpu.memory_space<hbm>>
      %dma_start3A_192 = tpu.memref_squeeze %dma_start3A_191 : memref<1x8x1024xf32, #tpu.memory_space<hbm>> -> memref<8x1024xf32, #tpu.memory_space<hbm>>
      %dma_start3A_193 = arith.constant 0 : i32
      %dma_start3A_194 = tpu.memref_slice %arg4[%select_n3A, %add3A_189, %dma_start3A_193] : memref<4x2048x1024xf32, #tpu.memory_space<hbm>> -> memref<1x8x1024xf32, #tpu.memory_space<hbm>>
      %dma_start3A_195 = tpu.memref_squeeze %dma_start3A_194 : memref<1x8x1024xf32, #tpu.memory_space<hbm>> -> memref<8x1024xf32, #tpu.memory_space<hbm>>
      tpu.enqueue_dma source(%arg12 : memref<8x1024xf32, #tpu.memory_space<vmem>>) target(%dma_start3A_195 : memref<8x1024xf32, #tpu.memory_space<hbm>>) target_semaphore(%arg20 : memref<!tpu.dma_semaphore, #tpu.memory_space<semaphore_mem>>)
      %lt3A_196 = arith.constant 7 : i32
      %lt3A_197 = arith.cmpi slt, %scan3A_107, %lt3A_196 : i32
      %convert_element_type3A_198 = arith.extui %lt3A_197 : i1 to i32
      %cond3A_199 = arith.constant 0 : i32
      %cond3A_200 = arith.cmpi ne, %convert_element_type3A_198, %cond3A_199 : i32
      scf.if %cond3A_200 {
        %add3A_234 = arith.constant 4 : i32
        %add3A_235 = arith.addi %add3A_172, %add3A_234 : i32
        %mul3A_236 = arith.constant 8 : i32
        %mul3A_237 = arith.muli %add3A_235, %mul3A_236 : i32
        %dma_start3A_238 = tpu.memref_slice %arg5[%mul3A_237] : memref<256xi32, #tpu.memory_space<vmem>> -> memref<8xi32, #tpu.memory_space<vmem>>
        %dma_start3A_239 = arith.constant 0 : i32
        %dma_start3A_240 = arith.constant 0 : i32
        %dma_start3A_241 = tpu.memref_slice %arg3[%dma_start3A_239, %dma_start3A_240] : memref<100000x1024xf32, #tpu.memory_space<hbm>> -> memref<100000x1024xf32, #tpu.memory_space<hbm>>
        tpu.enqueue_indirect_dma source(%dma_start3A_241 : memref<100000x1024xf32, #tpu.memory_space<hbm>>) target(%arg8 : memref<8x1024xf32, #tpu.memory_space<vmem>>) offsets(%dma_start3A_238 : memref<8xi32, #tpu.memory_space<vmem>>) semaphore(%arg16 : memref<!tpu.dma_semaphore, #tpu.memory_space<semaphore_mem>>)
      } else {
      }
      %mul3A_201 = arith.constant 4 : i32
      %mul3A_202 = arith.muli %mul3A_201, %scan3A_107 : i32
      %add3A_203 = arith.constant 3 : i32
      %add3A_204 = arith.addi %mul3A_202, %add3A_203 : i32
      %mul3A_205 = arith.constant 8 : i32
      %mul3A_206 = arith.muli %add3A_204, %mul3A_205 : i32
      %dma_wait3A_207 = tpu.memref_slice %arg5[%mul3A_206] : memref<256xi32, #tpu.memory_space<vmem>> -> memref<8xi32, #tpu.memory_space<vmem>>
      %dma_wait3A_208 = arith.constant 0 : i32
      %dma_wait3A_209 = arith.constant 0 : i32
      %dma_wait3A_210 = tpu.memref_slice %arg3[%dma_wait3A_208, %dma_wait3A_209] : memref<100000x1024xf32, #tpu.memory_space<hbm>> -> memref<100000x1024xf32, #tpu.memory_space<hbm>>
      tpu.wait_indirect_dma semaphore(%arg17 : memref<!tpu.dma_semaphore, #tpu.memory_space<semaphore_mem>>) src(%dma_wait3A_210 : memref<100000x1024xf32, #tpu.memory_space<hbm>>) dst(%arg9 : memref<8x1024xf32, #tpu.memory_space<vmem>>)
      %gt3A_211 = arith.constant 0 : i32
      %gt3A_212 = arith.cmpi sgt, %scan3A_107, %gt3A_211 : i32
      %convert_element_type3A_213 = arith.extui %gt3A_212 : i1 to i32
      %cond3A_214 = arith.constant 0 : i32
      %cond3A_215 = arith.cmpi ne, %convert_element_type3A_213, %cond3A_214 : i32
      scf.if %cond3A_215 {
        %sub3A_234 = arith.constant 4 : i32
        %sub3A_235 = arith.subi %add3A_204, %sub3A_234 : i32
        %mul3A_236 = arith.constant 8 : i32
        %mul3A_237 = arith.muli %sub3A_235, %mul3A_236 : i32
        %add3A_238 = arith.addi %mul3A_32, %mul3A_237 : i32
        %dma_wait3A_239 = arith.constant 0 : i32
        %dma_wait3A_240 = tpu.memref_slice %arg4[%select_n3A, %add3A_238, %dma_wait3A_239] : memref<4x2048x1024xf32, #tpu.memory_space<hbm>> -> memref<1x8x1024xf32, #tpu.memory_space<hbm>>
        %dma_wait3A_241 = tpu.memref_squeeze %dma_wait3A_240 : memref<1x8x1024xf32, #tpu.memory_space<hbm>> -> memref<8x1024xf32, #tpu.memory_space<hbm>>
        %dma_wait3A_242 = arith.constant 0 : i32
        %dma_wait3A_243 = tpu.memref_slice %arg4[%select_n3A, %add3A_238, %dma_wait3A_242] : memref<4x2048x1024xf32, #tpu.memory_space<hbm>> -> memref<1x8x1024xf32, #tpu.memory_space<hbm>>
        %dma_wait3A_244 = tpu.memref_squeeze %dma_wait3A_243 : memref<1x8x1024xf32, #tpu.memory_space<hbm>> -> memref<8x1024xf32, #tpu.memory_space<hbm>>
        tpu.wait_dma2 semaphore(%arg21 : memref<!tpu.dma_semaphore, #tpu.memory_space<semaphore_mem>>) src(%arg13 : memref<8x1024xf32, #tpu.memory_space<vmem>>) dst(%dma_wait3A_244 : memref<8x1024xf32, #tpu.memory_space<hbm>>)
      } else {
      }
      %parallel_loop3A_216 = arith.constant 0 : i32
      %parallel_loop3A_217 = arith.constant 512 : i32
      %parallel_loop3A_218 = arith.constant 1 : i32
      scf.for %parallel_loop3A_234 = %parallel_loop3A_216 to %parallel_loop3A_217 step %parallel_loop3A_218  : i32 {
        %parallel_loop3A_235 = arith.constant 6 : i32
        %parallel_loop3A_236 = arith.shrui %parallel_loop3A_234, %parallel_loop3A_235 : i32
        %parallel_loop3A_237 = arith.constant 63 : i32
        %parallel_loop3A_238 = arith.andi %parallel_loop3A_234, %parallel_loop3A_237 : i32
        %parallel_loop3A_239 = arith.constant 16 : i32
        %parallel_loop3A_240 = arith.muli %parallel_loop3A_238, %parallel_loop3A_239 : i32
        %parallel_loop3A_241 = arith.index_cast %parallel_loop3A_236 : i32 to index
        %parallel_loop3A_242 = arith.index_cast %parallel_loop3A_240 : i32 to index
        %parallel_loop3A_243 = tpu.vector_load %arg9[%parallel_loop3A_241, %parallel_loop3A_242] {strides = array<i32>} : memref<8x1024xf32, #tpu.memory_space<vmem>>, vector<1x16xf32>,
        %parallel_loop3A_244 = vector.shape_cast %parallel_loop3A_243 : vector<1x16xf32> to vector<16xf32>
        %parallel_loop3A_245 = arith.constant 3.200000e+01 : f32
        %parallel_loop3A_246 = vector.broadcast %parallel_loop3A_245 : f32 to vector<16xf32>
        %parallel_loop3A_247 = arith.mulf %parallel_loop3A_244, %parallel_loop3A_246 : vector<16xf32>
        %parallel_loop3A_248 = arith.index_cast %parallel_loop3A_236 : i32 to index
        %parallel_loop3A_249 = arith.index_cast %parallel_loop3A_240 : i32 to index
        %parallel_loop3A_250 = tpu.vector_load %arg13[%parallel_loop3A_248, %parallel_loop3A_249] {strides = array<i32>} : memref<8x1024xf32, #tpu.memory_space<vmem>>, vector<1x16xf32>,
        %parallel_loop3A_251 = vector.shape_cast %parallel_loop3A_250 : vector<1x16xf32> to vector<16xf32>
        %parallel_loop3A_252 = vector.shape_cast %parallel_loop3A_247 : vector<16xf32> to vector<1x16xf32>
        tpu.vector_store %arg13[%parallel_loop3A_248, %parallel_loop3A_249], %parallel_loop3A_252 {strides = array<i32>} : memref<8x1024xf32, #tpu.memory_space<vmem>>, vector<1x16xf32>,
      } {sc.loop_unroll_factor = 8 : i64, sc.parallel_access}
      %mul3A_219 = arith.constant 8 : i32
      %mul3A_220 = arith.muli %add3A_204, %mul3A_219 : i32
      %add3A_221 = arith.addi %mul3A_32, %mul3A_220 : i32
      %dma_start3A_222 = arith.constant 0 : i32
      %dma_start3A_223 = tpu.memref_slice %arg4[%select_n3A, %add3A_221, %dma_start3A_222] : memref<4x2048x1024xf32, #tpu.memory_space<hbm>> -> memref<1x8x1024xf32, #tpu.memory_space<hbm>>
      %dma_start3A_224 = tpu.memref_squeeze %dma_start3A_223 : memref<1x8x1024xf32, #tpu.memory_space<hbm>> -> memref<8x1024xf32, #tpu.memory_space<hbm>>
      %dma_start3A_225 = arith.constant 0 : i32
      %dma_start3A_226 = tpu.memref_slice %arg4[%select_n3A, %add3A_221, %dma_start3A_225] : memref<4x2048x1024xf32, #tpu.memory_space<hbm>> -> memref<1x8x1024xf32, #tpu.memory_space<hbm>>
      %dma_start3A_227 = tpu.memref_squeeze %dma_start3A_226 : memref<1x8x1024xf32, #tpu.memory_space<hbm>> -> memref<8x1024xf32, #tpu.memory_space<hbm>>
      tpu.enqueue_dma source(%arg13 : memref<8x1024xf32, #tpu.memory_space<vmem>>) target(%dma_start3A_227 : memref<8x1024xf32, #tpu.memory_space<hbm>>) target_semaphore(%arg21 : memref<!tpu.dma_semaphore, #tpu.memory_space<semaphore_mem>>)
      %lt3A_228 = arith.constant 7 : i32
      %lt3A_229 = arith.cmpi slt, %scan3A_107, %lt3A_228 : i32
      %convert_element_type3A_230 = arith.extui %lt3A_229 : i1 to i32
      %cond3A_231 = arith.constant 0 : i32
      %cond3A_232 = arith.cmpi ne, %convert_element_type3A_230, %cond3A_231 : i32
      scf.if %cond3A_232 {
        %add3A_234 = arith.constant 4 : i32
        %add3A_235 = arith.addi %add3A_204, %add3A_234 : i32
        %mul3A_236 = arith.constant 8 : i32
        %mul3A_237 = arith.muli %add3A_235, %mul3A_236 : i32
        %dma_start3A_238 = tpu.memref_slice %arg5[%mul3A_237] : memref<256xi32, #tpu.memory_space<vmem>> -> memref<8xi32, #tpu.memory_space<vmem>>
        %dma_start3A_239 = arith.constant 0 : i32
        %dma_start3A_240 = arith.constant 0 : i32
        %dma_start3A_241 = tpu.memref_slice %arg3[%dma_start3A_239, %dma_start3A_240] : memref<100000x1024xf32, #tpu.memory_space<hbm>> -> memref<100000x1024xf32, #tpu.memory_space<hbm>>
        tpu.enqueue_indirect_dma source(%dma_start3A_241 : memref<100000x1024xf32, #tpu.memory_space<hbm>>) target(%arg9 : memref<8x1024xf32, #tpu.memory_space<vmem>>) offsets(%dma_start3A_238 : memref<8xi32, #tpu.memory_space<vmem>>) semaphore(%arg17 : memref<!tpu.dma_semaphore, #tpu.memory_space<semaphore_mem>>)
      } else {
      }
      %scan3A_233 = arith.constant 0 : i32
      scf.yield %scan3A_233 : i32
    }
    %scan3A_74 = arith.constant 8 : i32
    %add3A_75 = arith.constant 224 : i32
    %add3A_76 = arith.addi %mul3A_32, %add3A_75 : i32
    %dma_wait3A_77 = arith.constant 0 : i32
    %dma_wait3A_78 = tpu.memref_slice %arg4[%select_n3A, %add3A_76, %dma_wait3A_77] : memref<4x2048x1024xf32, #tpu.memory_space<hbm>> -> memref<1x8x1024xf32, #tpu.memory_space<hbm>>
    %dma_wait3A_79 = tpu.memref_squeeze %dma_wait3A_78 : memref<1x8x1024xf32, #tpu.memory_space<hbm>> -> memref<8x1024xf32, #tpu.memory_space<hbm>>
    %dma_wait3A_80 = arith.constant 0 : i32
    %dma_wait3A_81 = tpu.memref_slice %arg4[%select_n3A, %add3A_76, %dma_wait3A_80] : memref<4x2048x1024xf32, #tpu.memory_space<hbm>> -> memref<1x8x1024xf32, #tpu.memory_space<hbm>>
    %dma_wait3A_82 = tpu.memref_squeeze %dma_wait3A_81 : memref<1x8x1024xf32, #tpu.memory_space<hbm>> -> memref<8x1024xf32, #tpu.memory_space<hbm>>
    tpu.wait_dma2 semaphore(%arg18 : memref<!tpu.dma_semaphore, #tpu.memory_space<semaphore_mem>>) src(%arg10 : memref<8x1024xf32, #tpu.memory_space<vmem>>) dst(%dma_wait3A_82 : memref<8x1024xf32, #tpu.memory_space<hbm>>)
    %add3A_83 = arith.constant 232 : i32
    %add3A_84 = arith.addi %mul3A_32, %add3A_83 : i32
    %dma_wait3A_85 = arith.constant 0 : i32
    %dma_wait3A_86 = tpu.memref_slice %arg4[%select_n3A, %add3A_84, %dma_wait3A_85] : memref<4x2048x1024xf32, #tpu.memory_space<hbm>> -> memref<1x8x1024xf32, #tpu.memory_space<hbm>>
    %dma_wait3A_87 = tpu.memref_squeeze %dma_wait3A_86 : memref<1x8x1024xf32, #tpu.memory_space<hbm>> -> memref<8x1024xf32, #tpu.memory_space<hbm>>
    %dma_wait3A_88 = arith.constant 0 : i32
    %dma_wait3A_89 = tpu.memref_slice %arg4[%select_n3A, %add3A_84, %dma_wait3A_88] : memref<4x2048x1024xf32, #tpu.memory_space<hbm>> -> memref<1x8x1024xf32, #tpu.memory_space<hbm>>
    %dma_wait3A_90 = tpu.memref_squeeze %dma_wait3A_89 : memref<1x8x1024xf32, #tpu.memory_space<hbm>> -> memref<8x1024xf32, #tpu.memory_space<hbm>>
    tpu.wait_dma2 semaphore(%arg19 : memref<!tpu.dma_semaphore, #tpu.memory_space<semaphore_mem>>) src(%arg11 : memref<8x1024xf32, #tpu.memory_space<vmem>>) dst(%dma_wait3A_90 : memref<8x1024xf32, #tpu.memory_space<hbm>>)
    %add3A_91 = arith.constant 240 : i32
    %add3A_92 = arith.addi %mul3A_32, %add3A_91 : i32
    %dma_wait3A_93 = arith.constant 0 : i32
    %dma_wait3A_94 = tpu.memref_slice %arg4[%select_n3A, %add3A_92, %dma_wait3A_93] : memref<4x2048x1024xf32, #tpu.memory_space<hbm>> -> memref<1x8x1024xf32, #tpu.memory_space<hbm>>
    %dma_wait3A_95 = tpu.memref_squeeze %dma_wait3A_94 : memref<1x8x1024xf32, #tpu.memory_space<hbm>> -> memref<8x1024xf32, #tpu.memory_space<hbm>>
    %dma_wait3A_96 = arith.constant 0 : i32
    %dma_wait3A_97 = tpu.memref_slice %arg4[%select_n3A, %add3A_92, %dma_wait3A_96] : memref<4x2048x1024xf32, #tpu.memory_space<hbm>> -> memref<1x8x1024xf32, #tpu.memory_space<hbm>>
    %dma_wait3A_98 = tpu.memref_squeeze %dma_wait3A_97 : memref<1x8x1024xf32, #tpu.memory_space<hbm>> -> memref<8x1024xf32, #tpu.memory_space<hbm>>
    tpu.wait_dma2 semaphore(%arg20 : memref<!tpu.dma_semaphore, #tpu.memory_space<semaphore_mem>>) src(%arg12 : memref<8x1024xf32, #tpu.memory_space<vmem>>) dst(%dma_wait3A_98 : memref<8x1024xf32, #tpu.memory_space<hbm>>)
    %add3A_99 = arith.constant 248 : i32
    %add3A_100 = arith.addi %mul3A_32, %add3A_99 : i32
    %dma_wait3A_101 = arith.constant 0 : i32
    %dma_wait3A_102 = tpu.memref_slice %arg4[%select_n3A, %add3A_100, %dma_wait3A_101] : memref<4x2048x1024xf32, #tpu.memory_space<hbm>> -> memref<1x8x1024xf32, #tpu.memory_space<hbm>>
    %dma_wait3A_103 = tpu.memref_squeeze %dma_wait3A_102 : memref<1x8x1024xf32, #tpu.memory_space<hbm>> -> memref<8x1024xf32, #tpu.memory_space<hbm>>
    %dma_wait3A_104 = arith.constant 0 : i32
    %dma_wait3A_105 = tpu.memref_slice %arg4[%select_n3A, %add3A_100, %dma_wait3A_104] : memref<4x2048x1024xf32, #tpu.memory_space<hbm>> -> memref<1x8x1024xf32, #tpu.memory_space<hbm>>
    %dma_wait3A_106 = tpu.memref_squeeze %dma_wait3A_105 : memref<1x8x1024xf32, #tpu.memory_space<hbm>> -> memref<8x1024xf32, #tpu.memory_space<hbm>>
    tpu.wait_dma2 semaphore(%arg21 : memref<!tpu.dma_semaphore, #tpu.memory_space<semaphore_mem>>) src(%arg13 : memref<8x1024xf32, #tpu.memory_space<vmem>>) dst(%dma_wait3A_106 : memref<8x1024xf32, #tpu.memory_space<hbm>>)
    return
  }
}

</mosaic_0001>

<sc_bundles>
// kernel: kernel.3.cloned.1.call-start
scs
__scs_entry_jumppad:
0x0: {  	(pc) =	sbr.rel $0x88, $3  }
0x1: {  	(tag) =	ssettag $0x0;
	lr =	simm.s32 $0x1  }
0x2: {  	[smem:$0x3F9F] =	sst lr;
	_ =	strace $0xD0000000  }
0x3: {  	_ = 	snop  }
0x4: {  	_ = 	snop  }
0x5: {  	_ = 	snop  }
0x6: {  	_ = 	snop  }
0x7: {  	_ = 	snop  }
__scs_overlays_trampoline_lowered:
0x8: {  	[smem:$0x3FAE] =	sst s0  }
0x9: {  	[smem:$0x3FAF] =	sst s1  }
0xa: {  	[smem:$0x3FB0] =	sst s2  }
0xb: {  	[smem:$0x3FB1] =	sst s3  }
0xc: {  	[smem:$0x3FB2] =	sst s4  }
0xd: {  	[smem:$0x3FB3] =	sst s5  }
0xe: {  	[smem:$0x3FB4] =	sst s6  }
0xf: {  	[smem:$0x3FB5] =	sst s7  }
0x10: {  	[smem:$0x3FB6] =	sst s8  }
0x11: {  	[smem:$0x3FB7] =	sst s9;
	s0 =	simm.s32 @!p0 $0x0  }
0x12: {  	s1 =	sld [smem:$0x3F9D];
	s0 =	simm.s32 @p0 $0x1  }
0x13: {  	[smem:$0x3FB8] =	sst s0;
	s0 =	simm.s32 @!p1 $0x0  }
0x14: {  	s2 =	sld [smem:$0x3F9C];
	s0 =	simm.s32 @p1 $0x1  }
0x15: {  	[smem:$0x3FB9] =	sst s0;
	s0 =	simm.s32 @!p2 $0x0  }
0x16: {  	s3 =	sld [smem:$0x3FDB];
	s0 =	simm.s32 @p2 $0x1  }
0x17: {  	s4 =	simm.s32 $0x1BF5;
	[smem:$0x3FBB] =	sst s0  }
0x18: {  	s0 =	sld [smem:$0x3F9E];
	_ =	swait.ge [sflag:s4], $0x0  }
0x19: {  	s7 =	sld [smem:$0x3F9F]  }
0x1a: {  	s8 =	sadd.s32 $0xFFFFE003, lr  }
0x1b: {  	s9 =	sadd.s32 $0xFFFFFEF7, lr;
	s5 =	simm.s32 $0xFFFFFFFF;
	p2 =	slt.u32 s8, $0xFFFFF086  }
0x1c: {  	p1 =	slt.u32 s9, $0xF7A;
	s5 =	simm.s32 @!p2 $0x0  }
0x1d: {  	s5 =	simm.s32 @p1 $0x1;
	p0 =	seq.s32 s7, s2  }
0x1e: {  	s7 =	smul.u32 @!p0 $0xF7A, s2;
	p2 =	seq.s32 @!p0 s5, $0x0  }
0x1f: {  	s9 =	smul.u32 $0xF7A, s1;
	s8 =	simm.s32 @!p0 $0x1BF5;
	p2 =	por !p2, p0  }
0x20: {  	[sflag:s8] =	ssyncset.s32 @!p0 $0xFFFFF086;
	s6 =	sadd.s32 @!p0 s3, s7;
	s7 =	simm.s32 @!p0 $0x108  }
0x21: {  	s3 =	sadd.s32 s3, s9;
	s6 =	sadd.s32 @!p0 $0x88, s6;
	s7 =	simm.s32 @p2 $0x1082  }
0x22: {  	[simem:s7], [sflag:s8] =	dma.local @!p0 [hbm:s6], $0xF7A  }
0x23: {  	s9 =	sor.u32 $0xD0000000, s2;
	s6 =	simm.s32 $0x108;
	_ =	swait.ge @!p0 [sflag:s8], $0x0  }
0x24: {  	s3 =	sadd.s32 $0x88, s3;
	s6 =	simm.s32 @!p1 $0x1082;
	[sflag:s4] =	ssyncset.s32 $0xFFFFF086  }
0x25: {  	[simem:s6], [sflag:s4] =	dma.local [hbm:s3], $0xF7A  }
0x26: {  	[smem:$0x3F9F] =	sst s1;
	(tag) =	ssettag s2;
	_ =	strace s9  }
0x27: {  	s1 =	sld [smem:$0x3FAF]  }
0x28: {  	s2 =	sld [smem:$0x3FB0]  }
0x29: {  	s4 =	sld [smem:$0x3FB2]  }
0x2a: {  	p0 =	seq.s32 s5, $0x0;
	s5 =	sld [smem:$0x3FB3]  }
0x2b: {  	s6 =	sld [smem:$0x3FB4]  }
0x2c: {  	s7 =	sld [smem:$0x3FB5]  }
0x2d: {  	s3 =	simm.s32 $0x108;
	s8 =	sld [smem:$0x3FB6]  }
0x2e: {  	s3 =	simm.s32 @!p0 $0x1082;
	s9 =	sld [smem:$0x3FB7]  }
0x2f: {  	lr =	sadd.s32 s0, s3;
	s0 =	sld [smem:$0x3FAE]  }
0x30: {  	s3 =	sld [smem:$0x3FB1]  }
0x31: {  	[smem:$0x3FBA] =	sst s10  }
0x32: {  	s10 =	sld [smem:$0x3FB8];
	_ =	sdelay $0x3  }
0x33: {  	p0 =	seq.s32 s10, $0x1;
	s10 =	sld [smem:$0x3FBA];
	_ =	sdelay $0x3  }
0x34: {  	[smem:$0x3FBA] =	sst s10  }
0x35: {  	s10 =	sld [smem:$0x3FB9];
	_ =	sdelay $0x3  }
0x36: {  	p1 =	seq.s32 s10, $0x1;
	s10 =	sld [smem:$0x3FBA];
	_ =	sdelay $0x3  }
0x37: {  	[smem:$0x3FBA] =	sst s10  }
0x38: {  	s10 =	sld [smem:$0x3FBB]  }
0x39: {  	_ = 	snop;
	(pc) =	sbr.ind lr, $3  }
0x3a: {  	_ = 	snop  }
0x3b: {  	_ = 	snop  }
0x3c: {  	p2 =	seq.s32 s10, $0x1;
	s10 =	sld [smem:$0x3FBA]  }
0x3d: {  	_ =	shalt  }
0x3e: {  	_ =	shalt  }
0x3f: {  	_ =	shalt  }
0x40: {  	_ =	shalt  }
0x41: {  	_ =	shalt  }
0x42: {  	_ =	shalt  }
0x43: {  	_ =	shalt  }
0x44: {  	_ =	shalt  }
0x45: {  	_ =	shalt  }
0x46: {  	_ =	shalt  }
0x47: {  	_ =	shalt  }
0x48: {  	_ =	shalt  }
0x49: {  	_ =	shalt  }
0x4a: {  	_ =	shalt  }
0x4b: {  	_ =	shalt  }
0x4c: {  	_ =	shalt  }
0x4d: {  	_ =	shalt  }
0x4e: {  	_ =	shalt  }
0x4f: {  	_ =	shalt  }
0x50: {  	_ =	shalt  }
0x51: {  	_ =	shalt  }
0x52: {  	_ =	shalt  }
0x53: {  	_ =	shalt  }
0x54: {  	_ =	shalt  }
0x55: {  	_ =	shalt  }
0x56: {  	_ =	shalt  }
0x57: {  	_ =	shalt  }
0x58: {  	_ =	shalt  }
0x59: {  	_ =	shalt  }
0x5a: {  	_ =	shalt  }
0x5b: {  	_ =	shalt  }
0x5c: {  	_ =	shalt  }
0x5d: {  	_ =	shalt  }
0x5e: {  	_ =	shalt  }
0x5f: {  	_ =	shalt  }
0x60: {  	_ =	shalt  }
0x61: {  	_ =	shalt  }
0x62: {  	_ =	shalt  }
0x63: {  	_ =	shalt  }
0x64: {  	_ =	shalt  }
0x65: {  	_ =	shalt  }
0x66: {  	_ =	shalt  }
0x67: {  	_ =	shalt  }
0x68: {  	_ =	shalt  }
0x69: {  	_ =	shalt  }
0x6a: {  	_ =	shalt  }
0x6b: {  	_ =	shalt  }
0x6c: {  	_ =	shalt  }
0x6d: {  	_ =	shalt  }
0x6e: {  	_ =	shalt  }
0x6f: {  	_ =	shalt  }
0x70: {  	_ =	shalt  }
0x71: {  	_ =	shalt  }
0x72: {  	_ =	shalt  }
0x73: {  	_ =	shalt  }
0x74: {  	_ =	shalt  }
0x75: {  	_ =	shalt  }
0x76: {  	_ =	shalt  }
0x77: {  	_ =	shalt  }
0x78: {  	_ =	shalt  }
0x79: {  	_ =	shalt  }
0x7a: {  	_ =	shalt  }
0x7b: {  	_ =	shalt  }
0x7c: {  	_ =	shalt  }
0x7d: {  	_ =	shalt  }
0x7e: {  	_ =	shalt  }
0x7f: {  	_ =	shalt  }
0x80: {  	_ =	shalt  }
0x81: {  	_ =	shalt  }
0x82: {  	_ =	shalt  }
0x83: {  	_ =	shalt  }
0x84: {  	_ =	shalt  }
0x85: {  	_ =	shalt  }
0x86: {  	_ =	shalt  }
0x87: {  	_ =	shalt  }
.Lfunc_end0:
.L_simem_size_0:
called_computation_lowered:
.L_overlay_start_0:
0x88: {  	s2 =	sld [smem:$0x3FD9]  }
0x89: {  	s3 =	sld [smem:$0x3FFE];
	_ =	sdelay $0x1  }
0x8a: {  	s1 =	srdreg.scid  }
0x8b: {  	s0 =	sand.u32 $0x1, s1  }
0x8c: {  	s18 =	sshll.u32 s0, $0xA;
	s2 =	sadd.s32 s3, s2  }
0x8d: {  	s2 =	sadd.s32 s2, s18  }
0x8e: {  	[smem:$0x3FC6] =	sst s2  }
0x8f: {  	_ = 	snop  }
0x90: {  	s2 =	sld [smem:$0x3FC9]  }
0x91: {  	s19 =	sld [smem:$0x3FC8]  }
0x92: {  	s4 =	sld [smem:$0x3FD0];
	(tm) =	ssettm $0x1  }
0x93: {  	s5 =	sld [smem:$0x3FFB];
	_ =	sdelay $0x3  }
0x94: {  	_ =	strace s5  }
0x95: {  	s5 =	sld [smem:$0x3FFC];
	_ =	sdelay $0x3  }
0x96: {  	_ =	strace s5  }
0x97: {  	s5 =	sld [smem:$0x3FFD];
	_ =	sdelay $0x3  }
0x98: {  	_ =	strace s5  }
0x99: {  	_ =	strace $0x8FFFFFFF  }
0x9a: {  	s20 =	sld [smem:$0x3FDB];
	_ =	sdelay $0x1  }
0x9b: {  	s6 =	simm.s32 $_scs_section_size  }
0x9c: {  	s7 =	simm.s32 $_size__tile_overlayer_lowered;
	s8 =	simm.s32 $_tile_overlayer_lowered  }
0x9d: {  	s23 =	simm.s32 $0x1BFF;
	s22 =	sshll.u32 s8, $0x1;
	s5 =	sadd.s32 s6, s20  }
0x9e: {  	s9 =	simm.s32 $0x0;
	s21 =	sshll.u32 s7, $0x1;
	s7 =	sadd.s32 s22, s5  }
0x9f: {  	[timem:s9], [sflag:s23] =	dma.local [hbm:s7], s21  }
0xa0: {  	_ =	swait.ge [sflag:s23], s21  }
0xa1: {  	s6 =	ssub.s32 $0x0, s21;
	[sflag:s23] =	ssyncset.done $0x0  }
0xa2: {  	[sflag:s23] =	ssyncadd.s32 s6;
	_ =	sdelay $0x1  }
0xa3: {  	s24 =	simm.s32 $0x1B8B  }
0xa4: {  	_ =	swait.ge [sflag:s24], $0x1  }
0xa5: {  	[sflag:s24] =	ssyncset.done $0x0  }
0xa6: {  	s25 =	simm.s32 $0x1B8E;
	[sflag:s24] =	ssyncadd.s32 $0xFFFFFFFF  }
0xa7: {  	s26 =	simm.s32 $execute0_lowered;
	[smem:$0x3FD2] =	sst s25  }
0xa8: {  	s6 =	sshll.u32 s26, $0x1;
	_ =	strace $0x80000046;
	[dreg:$0x1] =	wrdreg $0xFFFFFFFF  }
0xa9: {  	s28 =	simm.s32 $_size_execute0_lowered;
	s5 =	sadd.s32 s5, s6;
	[dreg:$0x0] =	wrdreg $0x0  }
0xaa: {  	s6 =	sshll.u32 s28, $0x1;
	[dreg:$0x2] =	wrdreg s5  }
0xab: {  	[dreg:$0x3] =	wrdreg s6  }
0xac: {  	[dreg:$0x4] =	wrdreg $0xC0  }
0xad: {  	_ =	task [dreg:s9], $0x5FFFF  }
0xae: {  	[dreg:$0x1] =	wrdreg $0xFFFFFFFF  }
0xaf: {  	[dreg:$0x0] =	wrdreg $0x60  }
0xb0: {  	[dreg:$0x2] =	wrdreg s2  }
0xb1: {  	[dreg:$0x3] =	wrdreg s19  }
0xb2: {  	[dreg:$0x4] =	wrdreg s4  }
0xb3: {  	[dreg:$0x5] =	wrdreg $0x9  }
0xb4: {  	_ =	task.clear_ibuf [dreg:s9], $0x6FFFF;
	_ =	strace $0x90000046  }
0xb5: {  	s29 =	simm.s32 $0x9;
	_ =	strace $0x80000048  }
0xb6: {  	_ =	swait.ge [sflag:s29], $0x1  }
0xb7: {  	[sflag:s29] =	ssyncadd.s32 $0xFFFFFFFF  }
0xb8: {  	_ =	strace $0x90000048  }
0xb9: {  	_ =	sfence  }
0xba: {  	s30 =	sld [smem:$0x0];
	_ =	sdelay $0x2  }
0xbb: {  	s31 =	sshll.u32 s1, $0xD;
	s1 =	sshrl.u32 s1, $0x2  }
0xbc: {  	s3 =	sand.u32 $0x4000, s31;
	s1 =	sadd.s32 s1, s30  }
0xbd: {  	s0 =	sor.u32 s3, s0;
	s1 =	sshll.u32 s1, $0x11  }
0xbe: {  	s0 =	sor.u32 s1, s0  }
0xbf: {  	s0 =	sadd.s32 $0x8F2B, s0  }
0xc0: {  	[sflag:s0] =	ssyncadd.remote.s32 $0x1  }
0xc1: {  	_ =	sfence.sel $0xFFFF  }
0xc2: {  	[dreg:$0x0] =	wrdreg $0xFFFFFFFF;
	(pc) =	sbr.abs _section_cstart, $3  }
0xc3: {  	[dreg:$0x1] =	wrdreg $0xFFFFFFFF  }
0xc4: {  	_ =	task.clear_ibuf [dreg:s9], $0x2FFFF;
	_ =	strace $0x9FFFFFFF  }
0xc5: {  	(tm) =	ssettm $0x7FFFFFFF  }
tec
execute0_lowered:
.L_overlay_start_1:
0x0: {  	(tag) =	ssettag $0x1  }
0x1: {  	s0 =	rddreg [dreg:$0x0]  }
0x2: {  	s2 =	rddreg [dreg:$0x1]  }
0x3: {  	s3 =	rddreg [dreg:$0x2];
	s7 =	stileid.u32;
	s4 =	simm.s32 $0x0  }
0x4: {  	s1 =	srdreg.scid;
	s13 =	simm.s32 $0x2;
	s14 =	simm.s32 $0xA100  }
0x5: {  	s15 =	simm.s32 $0x7;
	s16 =	simm.s32 $0xC100;
	s17 =	simm.s32 $0x4  }
0x6: {  	s18 =	simm.s32 $0x8;
	s19 =	simm.s32 $0xE100;
	s20 =	simm.s32 $0x0  }
0x7: {  	s5 =	sshll.u32 s7, $0x1;
	[smem:$0x7FF] =	sst s4;
	s1 =	sand.u32 $0x1, s1  }
0x8: {  	s9 =	sshrl.u32 s7, $0x2;
	s10 =	sadd.s32 $0x300, s2;
	s5 =	sand.u32 $0x6, s5  }
0x9: {  	s6 =	ssub.s32 $0x2, s1;
	s8 =	sshll.u32 s9, $0x4;
	_ =	strace $0x80000047  }
0xa: {  	s9 =	sshll.u32 s9, $0x15;
	s1 =	sor.u32 s1, s5;
	s26 =	sshrl.u32 s6, $0x1  }
0xb: {  	s28 =	sshll.u32 s1, $0x7;
	s6 =	ssub.s32 s6, s26;
	s5 =	sshll.u32 s1, $0x8  }
.Ltmp0:
0xc: {  	s29 =	sshll.u32 s1, $0x12;
	s1 =	simm.s32 $0x3;
	(pc) =	sbr.rel .LBB2_1-.Ltmp0, $4  }
0xd: {  	s7 =	sor.u32 s8, s28;
	s8 =	sadd.s32 $0x200, s2;
	s31 =	smax.u32 s6, $0x1  }
0xe: {  	v0 =	vlaneseq.u32;
	s12 =	sor.u32 s9, s29;
	s11 =	sadd.s32 s0, s7;
	[dreg:$0x6] =	wrdreg s31  }
0xf: {  	v1 =	vshrl.u32 v0, $0x3;
	s6 =	simm.s32 $0x6;
	[dreg:$0x4] =	wrdreg s11;
	s30 =	sadd.s32 $0x40, s11  }
0x10: {  	vm0 =	vmmov $0xffff;
	v0 =	vand.u32 $0x7, v0;
	v1 =	vmul.u32 $0x8, v1;
	s7 =	sadd.s32 $0x100, s2;
	s0 =	simm.s32 $0x1;
	[dreg:$0x5] =	wrdreg s30  }
.LBB2_24:
0x11: {  	s11 =	simm.s32 $0x5  }
0x12: {  	_ =	swait.ge [sflag:s11], $0x2000  }
0x13: {  	[sflag:s11] =	ssyncset.done $0x0  }
0x14: {  	[sflag:s11] =	ssyncadd.s32 $0xFFFFE000  }
0x15: {  	_ =	swait.ge [sflag:s6], $0x2000  }
0x16: {  	[sflag:s6] =	ssyncset.done $0x0  }
0x17: {  	[sflag:s6] =	ssyncadd.s32 $0xFFFFE000  }
0x18: {  	_ =	swait.ge [sflag:s15], $0x2000  }
0x19: {  	[sflag:s15] =	ssyncset.done $0x0  }
0x1a: {  	[sflag:s15] =	ssyncadd.s32 $0xFFFFE000  }
0x1b: {  	_ =	swait.ge [sflag:s18], $0x2000  }
0x1c: {  	s20 =	rddreg [dreg:$0x7]  }
0x1d: {  	s31 =	rddreg [dreg:$0x6];
	s20 =	sadd.s32 $0x1, s20  }
0x1e: {  	p0 =	sne.s32 s20, s31  }
.Ltmp1:
0x1f: {  	_ = 	snop;
	(pc) =	sbr.rel @!p0 .LBB2_25-.Ltmp1, $3  }
0x20: {  	_ =	sdelay $0x1  }
0x21: {  	[sflag:s18] =	ssyncset.done $0x0  }
0x22: {  	[sflag:s18] =	ssyncadd.s32 $0xFFFFE000  }
.LBB2_1:
0x23: {  	[dreg:$0x7] =	wrdreg s20  }
0x24: {  	s11 =	rddreg [dreg:$0x4];
	s22 =	simm.s32 $0xA  }
0x25: {  	[tilespmem:s4], [sflag:$0xA] =	stream.linear.gather [hbm4b:s11+s4], $0x80, $0x38;
	[tilespmem:$0x10100] =	vst v63  }
0x26: {  	_ =	swait.ge [sflag:s22], $0x80  }
0x27: {  	[sflag:s22] =	ssyncset.done $0x0  }
0x28: {  	[sflag:s22] =	ssyncadd.s32 $0xFFFFFF80  }
0x29: {  	v2 =	vld.msk [tilespmem:$0x0], $0xff;
	_ =	sdelay $0x4  }
0x2a: {  	v3 =	vshll.u32 v2, $0x3  }
0x2b: {  	v2 =	vand.u32 $0x7, v2;
	v3 =	vand.u32 $0xFFFFFFC0, v3  }
0x2c: {  	v2 =	vor.u32 v2, v3  }
0x2d: {  	v2 =	vperm.xlane v2, v0;
	_ =	sdelay $0x1  }
0x2e: {  	v2 =	vadd.s32 v1, v2;
	_ =	sdelay $0x3  }
0x2f: {  	s23 =	simm.s32 $0x100  }
0x30: {  	[tilespmem:s23], [sflag:$0x1] =	stream.indirect_vreg.gather [hbm4b:s2+s4], $0x80, v2, vm0, $0xb8;
	[tilespmem:$0x10100] =	vst v63  }
0x31: {  	s24 =	simm.s32 $0x900  }
0x32: {  	[tilespmem:s24], [sflag:$0x1] =	stream.indirect_vreg.gather [hbm4b:s7+s4], $0x80, v2, vm0, $0xb8;
	[tilespmem:$0x10100] =	vst v63  }
0x33: {  	s25 =	simm.s32 $0x1100  }
0x34: {  	[tilespmem:s25], [sflag:$0x1] =	stream.indirect_vreg.gather [hbm4b:s8+s4], $0x80, v2, vm0, $0xb8;
	[tilespmem:$0x10100] =	vst v63  }
0x35: {  	s26 =	simm.s32 $0x1900  }
0x36: {  	[tilespmem:s26], [sflag:$0x1] =	stream.indirect_vreg.gather [hbm4b:s10+s4], $0x80, v2, vm0, $0xb8;
	[tilespmem:$0x10100] =	vst v63  }
0x37: {  	v2 =	vld.msk [tilespmem:$0x8], $0xff;
	_ =	sdelay $0x4  }
0x38: {  	v3 =	vshll.u32 v2, $0x3  }
0x39: {  	v2 =	vand.u32 $0x7, v2;
	v3 =	vand.u32 $0xFFFFFFC0, v3  }
0x3a: {  	v2 =	vor.u32 v2, v3  }
0x3b: {  	v2 =	vperm.xlane v2, v0;
	_ =	sdelay $0x1  }
0x3c: {  	v2 =	vadd.s32 v1, v2;
	_ =	sdelay $0x3  }
0x3d: {  	s28 =	simm.s32 $0x2100  }
0x3e: {  	[tilespmem:s28], [sflag:$0x2] =	stream.indirect_vreg.gather [hbm4b:s2+s4], $0x80, v2, vm0, $0xb8;
	[tilespmem:$0x10100] =	vst v63  }
0x3f: {  	s29 =	simm.s32 $0x2900  }
0x40: {  	[tilespmem:s29], [sflag:$0x2] =	stream.indirect_vreg.gather [hbm4b:s7+s4], $0x80, v2, vm0, $0xb8;
	[tilespmem:$0x10100] =	vst v63  }
0x41: {  	s30 =	simm.s32 $0x3100  }
0x42: {  	[tilespmem:s30], [sflag:$0x2] =	stream.indirect_vreg.gather [hbm4b:s8+s4], $0x80, v2, vm0, $0xb8;
	[tilespmem:$0x10100] =	vst v63  }
0x43: {  	s31 =	simm.s32 $0x3900  }
0x44: {  	[tilespmem:s31], [sflag:$0x2] =	stream.indirect_vreg.gather [hbm4b:s10+s4], $0x80, v2, vm0, $0xb8;
	[tilespmem:$0x10100] =	vst v63  }
0x45: {  	v2 =	vld.msk [tilespmem:$0x10], $0xff;
	_ =	sdelay $0x4  }
0x46: {  	v3 =	vshll.u32 v2, $0x3  }
0x47: {  	v2 =	vand.u32 $0x7, v2;
	v3 =	vand.u32 $0xFFFFFFC0, v3  }
0x48: {  	v2 =	vor.u32 v2, v3  }
0x49: {  	v2 =	vperm.xlane v2, v0;
	_ =	sdelay $0x1  }
0x4a: {  	v2 =	vadd.s32 v1, v2;
	_ =	sdelay $0x3  }
0x4b: {  	s20 =	simm.s32 $0x4100  }
0x4c: {  	[tilespmem:s20], [sflag:$0x3] =	stream.indirect_vreg.gather [hbm4b:s2+s4], $0x80, v2, vm0, $0xb8;
	[tilespmem:$0x10100] =	vst v63  }
0x4d: {  	s21 =	simm.s32 $0x4900  }
0x4e: {  	[tilespmem:s21], [sflag:$0x3] =	stream.indirect_vreg.gather [hbm4b:s7+s4], $0x80, v2, vm0, $0xb8;
	[tilespmem:$0x10100] =	vst v63  }
0x4f: {  	s22 =	simm.s32 $0x5100  }
0x50: {  	[tilespmem:s22], [sflag:$0x3] =	stream.indirect_vreg.gather [hbm4b:s8+s4], $0x80, v2, vm0, $0xb8;
	[tilespmem:$0x10100] =	vst v63  }
0x51: {  	s23 =	simm.s32 $0x5900  }
0x52: {  	[tilespmem:s23], [sflag:$0x3] =	stream.indirect_vreg.gather [hbm4b:s10+s4], $0x80, v2, vm0, $0xb8;
	[tilespmem:$0x10100] =	vst v63  }
0x53: {  	v2 =	vld.msk [tilespmem:$0x18], $0xff;
	_ =	sdelay $0x4  }
0x54: {  	v3 =	vshll.u32 v2, $0x3  }
0x55: {  	v2 =	vand.u32 $0x7, v2;
	v3 =	vand.u32 $0xFFFFFFC0, v3  }
0x56: {  	v2 =	vor.u32 v2, v3  }
0x57: {  	v2 =	vperm.xlane v2, v0;
	_ =	sdelay $0x1  }
0x58: {  	v2 =	vadd.s32 v1, v2;
	_ =	sdelay $0x3  }
0x59: {  	s24 =	simm.s32 $0x6100  }
0x5a: {  	[tilespmem:s24], [sflag:$0x4] =	stream.indirect_vreg.gather [hbm4b:s2+s4], $0x80, v2, vm0, $0xb8;
	[tilespmem:$0x10100] =	vst v63  }
0x5b: {  	s25 =	simm.s32 $0x6900  }
0x5c: {  	[tilespmem:s25], [sflag:$0x4] =	stream.indirect_vreg.gather [hbm4b:s7+s4], $0x80, v2, vm0, $0xb8;
	[tilespmem:$0x10100] =	vst v63  }
0x5d: {  	s26 =	simm.s32 $0x7100  }
0x5e: {  	[tilespmem:s26], [sflag:$0x4] =	stream.indirect_vreg.gather [hbm4b:s8+s4], $0x80, v2, vm0, $0xb8;
	[tilespmem:$0x10100] =	vst v63  }
0x5f: {  	s28 =	simm.s32 $0x7900  }
0x60: {  	[tilespmem:s28], [sflag:$0x4] =	stream.indirect_vreg.gather [hbm4b:s10+s4], $0x80, v2, vm0, $0xb8;
	[tilespmem:$0x10100] =	vst v63  }
0x61: {  	s29 =	rddreg [dreg:$0x5];
	s30 =	simm.s32 $0x80;
	s31 =	simm.s32 $0x9  }
0x62: {  	[tilespmem:s30], [sflag:$0x9] =	stream.linear.gather [hbm4b:s29+s4], $0x80, $0x38;
	[tilespmem:$0x10100] =	vst v63  }
0x63: {  	_ =	swait.ge [sflag:s31], $0x80  }
0x64: {  	[sflag:s31] =	ssyncset.done $0x0  }
0x65: {  	s20 =	simm.s32 $0x0;
	[sflag:s31] =	ssyncadd.s32 $0xFFFFFF80  }
.LBB2_2:
0x66: {  	_ =	swait.ge [sflag:s0], $0x2000  }
0x67: {  	p0 =	seq.s32 s20, $0x0;
	[sflag:s0] =	ssyncset.done $0x0  }
0x68: {  	s22 =	simm.s32 $0x0;
	s21 =	simm.s32 @!p0 $0x5;
	[sflag:s0] =	ssyncadd.s32 $0xFFFFE000  }
0x69: {  	s23 =	sand.u32 $0x1C00, s22;
	_ =	swait.ge @!p0 [sflag:s21], $0x2000  }
0x6a: {  	s24 =	sor.u32 s23, s22;
	[sflag:s21] =	ssyncset.done @!p0 $0x0  }
0x6b: {  	s29 =	sand.u32 $0x380, s22;
	s25 =	sor.u32 $0x70, s24;
	[sflag:s21] =	ssyncadd.s32 @!p0 $0xFFFFE000  }
0x6c: {  	s22 =	sor.u32 s29, s23;
	v2 =	vld [tilespmem:s25+$0x100]  }
0x6d: {  	v3 =	vld [tilespmem:s22+$0x100]  }
0x6e: {  	v4 =	vld [tilespmem:s22+$0x110]  }
0x6f: {  	v5 =	vld [tilespmem:s22+$0x120]  }
0x70: {  	s30 =	simm.s32 $0x400;
	v7 =	vld [tilespmem:s22+$0x130]  }
0x71: {  	s24 =	simm.s32 $0x10;
	s21 =	sand.u32 $0x1C00, s30;
	v8 =	vld [tilespmem:s22+$0x140];
	v2 =	vmul.f32 $3.200000000e+01, v2  }
0x72: {  	s31 =	sor.u32 s21, s24;
	v9 =	vld [tilespmem:s22+$0x150];
	v3 =	vmul.f32 $3.200000000e+01, v3  }
0x73: {  	s26 =	sand.u32 $0x380, s24;
	v11 =	vld [tilespmem:s22+$0x160];
	s23 =	sor.u32 $0x70, s31;
	v10 =	vmul.f32 $3.200000000e+01, v4;
	[tilespmem:s25+$0x8100] =	vst v2  }
0x74: {  	s21 =	sor.u32 s26, s21;
	v6 =	vld [tilespmem:s23+$0x100];
	[tilespmem:s22+$0x8100] =	vst v3;
	v2 =	vmul.f32 $3.200000000e+01, v5  }
0x75: {  	v4 =	vld [tilespmem:s21+$0x100];
	[tilespmem:s22+$0x8110] =	vst v10;
	v3 =	vmul.f32 $3.200000000e+01, v7  }
0x76: {  	v5 =	vld [tilespmem:s21+$0x110];
	v7 =	vmul.f32 $3.200000000e+01, v8;
	[tilespmem:s22+$0x8120] =	vst v2  }
0x77: {  	v8 =	vmul.f32 $3.200000000e+01, v9;
	v2 =	vld [tilespmem:s21+$0x120];
	[tilespmem:s22+$0x8130] =	vst v3  }
0x78: {  	s26 =	simm.s32 $0x800;
	s25 =	simm.s32 $0x8;
	v3 =	vld [tilespmem:s21+$0x130];
	[tilespmem:s22+$0x8140] =	vst v7;
	v7 =	vmul.f32 $3.200000000e+01, v11  }
.LBB2_3:
0x79: {  	s28 =	sand.u32 $0x1C00, s26;
	s25 =	sadd.s32 $0x8, s25;
	v9 =	vld [tilespmem:s21+$0x140];
	v6 =	vmul.f32 $3.200000000e+01, v6;
	s24 =	sadd.s32 $0x10, s24;
	[tilespmem:s22+$0x8150] =	vst v8  }
0x7a: {  	s29 =	sand.u32 $0x380, s24;
	s30 =	sor.u32 s28, s24;
	p1 =	slt.u32 s25, $0x1F8;
	v4 =	vmul.f32 $3.200000000e+01, v4;
	v8 =	vld [tilespmem:s21+$0x150];
	[tilespmem:s22+$0x8160] =	vst v7  }
0x7b: {  	s22 =	smov.u32 s21;
	v5 =	vmul.f32 $3.200000000e+01, v5;
	v7 =	vld [tilespmem:s21+$0x160];
	[tilespmem:s23+$0x8100] =	vst v6;
	s23 =	sor.u32 $0x70, s30;
	s21 =	sor.u32 s29, s28  }
.Ltmp2:
0x7c: {  	v6 =	vld [tilespmem:s23+$0x100];
	[tilespmem:s22+$0x8100] =	vst v4;
	v2 =	vmul.f32 $3.200000000e+01, v2;
	(pc) =	sbr.rel @p1 .LBB2_3-.Ltmp2, $4  }
0x7d: {  	v4 =	vld [tilespmem:s21+$0x100];
	[tilespmem:s22+$0x8110] =	vst v5;
	v3 =	vmul.f32 $3.200000000e+01, v3  }
0x7e: {  	v5 =	vld [tilespmem:s21+$0x110];
	[tilespmem:s22+$0x8120] =	vst v2;
	v9 =	vmul.f32 $3.200000000e+01, v9  }
0x7f: {  	v2 =	vld [tilespmem:s21+$0x120];
	[tilespmem:s22+$0x8130] =	vst v3;
	v8 =	vmul.f32 $3.200000000e+01, v8  }
0x80: {  	s26 =	sadd.s32 $0x400, s26;
	v3 =	vld [tilespmem:s21+$0x130];
	[tilespmem:s22+$0x8140] =	vst v9;
	v7 =	vmul.f32 $3.200000000e+01, v7  }
0x81: {  	v9 =	vld [tilespmem:s21+$0x140];
	v6 =	vmul.f32 $3.200000000e+01, v6;
	[tilespmem:s22+$0x8150] =	vst v8  }
0x82: {  	v62 =	vld [tilespmem:s21+$0x150];
	v4 =	vmul.f32 $3.200000000e+01, v4;
	[tilespmem:s22+$0x8160] =	vst v7  }
0x83: {  	v63 =	vld [tilespmem:s21+$0x160];
	v5 =	vmul.f32 $3.200000000e+01, v5;
	[tilespmem:s23+$0x8100] =	vst v6  }
0x84: {  	[tilespmem:s21+$0x8100] =	vst v4;
	v2 =	vmul.f32 $3.200000000e+01, v2  }
0x85: {  	[tilespmem:s21+$0x8110] =	vst v5;
	v3 =	vmul.f32 $3.200000000e+01, v3  }
0x86: {  	p1 =	sne.s32 s20, $0x7;
	[tilespmem:s21+$0x8120] =	vst v2;
	v2 =	vmul.f32 $3.200000000e+01, v9  }
.Ltmp3:
0x87: {  	s30 =	sshll.u32 s20, $0xF;
	[tilespmem:s21+$0x8130] =	vst v3;
	v3 =	vmul.f32 $3.200000000e+01, v62;
	(pc) =	sbr.rel @p1 .LBB2_6-.Ltmp3, $4  }
0x88: {  	s22 =	sadd.s32 s12, s30;
	[tilespmem:s21+$0x8140] =	vst v2;
	v2 =	vmul.f32 $3.200000000e+01, v63  }
0x89: {  	s22 =	sshrl.u32 s22, $0x3;
	[tilespmem:s21+$0x8150] =	vst v3  }
0x8a: {  	s11 =	simm.s32 $0x8100;
	s31 =	sadd.s32 s3, s22;
	[tilespmem:s21+$0x8160] =	vst v2  }
0x8b: {  	[hbm4b:s31+s4] =	stream.linear.scatter [tilespmem:s11], [sflag:$0x5], $0x2000, $0x38;
	[tilespmem:$0x10100] =	vst v63  }
.Ltmp4:
0x8c: {  	(pc) =	sbr.rel .LBB2_7-.Ltmp4, $4  }
0x8d: {  	_ = 	snop  }
0x8e: {  	_ =	swait.ge [sflag:s13], $0x2000  }
0x8f: {  	[sflag:s13] =	ssyncset.done $0x0  }
0x90: {  	[sflag:s13] =	ssyncadd.s32 $0xFFFFE000  }
.LBB2_6:
0x91: {  	s21 =	sshll.u32 s20, $0x5  }
0x92: {  	s21 =	sand.u32 $0x3FFFFFE0, s21  }
0x93: {  	v2 =	vld.msk [tilespmem:s21+$0x20], $0xff;
	_ =	sdelay $0x4  }
0x94: {  	v3 =	vshll.u32 v2, $0x3  }
0x95: {  	v2 =	vand.u32 $0x7, v2;
	v3 =	vand.u32 $0xFFFFFFC0, v3  }
0x96: {  	v2 =	vor.u32 v2, v3  }
0x97: {  	v2 =	vperm.xlane v2, v0;
	_ =	sdelay $0x1  }
0x98: {  	v2 =	vadd.s32 v1, v2;
	_ =	sdelay $0x3  }
0x99: {  	s11 =	simm.s32 $0x100  }
0x9a: {  	[tilespmem:s11], [sflag:$0x1] =	stream.indirect_vreg.gather [hbm4b:s2+s4], $0x80, v2, vm0, $0xb8;
	[tilespmem:$0x10100] =	vst v63  }
0x9b: {  	s29 =	simm.s32 $0x900  }
0x9c: {  	[tilespmem:s29], [sflag:$0x1] =	stream.indirect_vreg.gather [hbm4b:s7+s4], $0x80, v2, vm0, $0xb8;
	[tilespmem:$0x10100] =	vst v63  }
0x9d: {  	s30 =	simm.s32 $0x1100  }
0x9e: {  	[tilespmem:s30], [sflag:$0x1] =	stream.indirect_vreg.gather [hbm4b:s8+s4], $0x80, v2, vm0, $0xb8;
	[tilespmem:$0x10100] =	vst v63  }
.Ltmp5:
0x9f: {  	s31 =	simm.s32 $0x1900;
	(pc) =	sbr.rel @p0 .LBB2_8-.Ltmp5, $4  }
0xa0: {  	[tilespmem:s31], [sflag:$0x1] =	stream.indirect_vreg.gather [hbm4b:s10+s4], $0x80, v2, vm0, $0xb8;
	[tilespmem:$0x10100] =	vst v63  }
0xa1: {  	_ =	swait.ge [sflag:s13], $0x2000  }
0xa2: {  	[sflag:s13] =	ssyncset.done $0x0  }
0xa3: {  	[sflag:s13] =	ssyncadd.s32 $0xFFFFE000  }
.LBB2_7:
0xa4: {  	_ =	swait.ge [sflag:s6], $0x2000  }
0xa5: {  	[sflag:s6] =	ssyncset.done $0x0  }
0xa6: {  	[sflag:s6] =	ssyncadd.s32 $0xFFFFE000  }
.LBB2_8:
0xa7: {  	s21 =	simm.s32 $0x0  }
0xa8: {  	s22 =	sand.u32 $0x1C00, s21  }
0xa9: {  	s23 =	sor.u32 s22, s21  }
0xaa: {  	s21 =	sand.u32 $0x380, s21;
	s23 =	sor.u32 $0x70, s23  }
0xab: {  	s21 =	sor.u32 s21, s22;
	v2 =	vld [tilespmem:s23+$0x2100]  }
0xac: {  	v3 =	vld [tilespmem:s21+$0x2100]  }
0xad: {  	v4 =	vld [tilespmem:s21+$0x2110]  }
0xae: {  	v5 =	vld [tilespmem:s21+$0x2120]  }
0xaf: {  	s31 =	simm.s32 $0x400;
	v7 =	vld [tilespmem:s21+$0x2130]  }
0xb0: {  	s24 =	simm.s32 $0x10;
	s25 =	sand.u32 $0x1C00, s31;
	v8 =	vld [tilespmem:s21+$0x2140];
	v2 =	vmul.f32 $3.200000000e+01, v2  }
0xb1: {  	s22 =	sor.u32 s25, s24;
	v9 =	vld [tilespmem:s21+$0x2150];
	v3 =	vmul.f32 $3.200000000e+01, v3  }
0xb2: {  	s26 =	sand.u32 $0x380, s24;
	s22 =	sor.u32 $0x70, s22;
	v11 =	vld [tilespmem:s21+$0x2160];
	v10 =	vmul.f32 $3.200000000e+01, v4;
	[tilespmem:s23+$0xA100] =	vst v2  }
0xb3: {  	v6 =	vld [tilespmem:s22+$0x2100];
	s23 =	sor.u32 s26, s25;
	[tilespmem:s21+$0xA100] =	vst v3;
	v2 =	vmul.f32 $3.200000000e+01, v5  }
0xb4: {  	[tilespmem:s21+$0xA110] =	vst v10;
	v3 =	vmul.f32 $3.200000000e+01, v7;
	v4 =	vld [tilespmem:s23+$0x2100]  }
0xb5: {  	v7 =	vmul.f32 $3.200000000e+01, v8;
	v5 =	vld [tilespmem:s23+$0x2110];
	[tilespmem:s21+$0xA120] =	vst v2  }
0xb6: {  	v8 =	vmul.f32 $3.200000000e+01, v9;
	v2 =	vld [tilespmem:s23+$0x2120];
	[tilespmem:s21+$0xA130] =	vst v3  }
0xb7: {  	s25 =	simm.s32 $0x8;
	s26 =	simm.s32 $0x800;
	v3 =	vld [tilespmem:s23+$0x2130];
	[tilespmem:s21+$0xA140] =	vst v7;
	v7 =	vmul.f32 $3.200000000e+01, v11  }
.LBB2_9:
0xb8: {  	s28 =	sand.u32 $0x1C00, s26;
	s25 =	sadd.s32 $0x8, s25;
	v9 =	vld [tilespmem:s23+$0x2140];
	v6 =	vmul.f32 $3.200000000e+01, v6;
	s24 =	sadd.s32 $0x10, s24;
	[tilespmem:s21+$0xA150] =	vst v8  }
0xb9: {  	s29 =	sand.u32 $0x380, s24;
	s30 =	sor.u32 s28, s24;
	p2 =	slt.u32 s25, $0x1F8;
	v4 =	vmul.f32 $3.200000000e+01, v4;
	v8 =	vld [tilespmem:s23+$0x2150];
	[tilespmem:s21+$0xA160] =	vst v7  }
0xba: {  	s21 =	smov.u32 s23;
	v5 =	vmul.f32 $3.200000000e+01, v5;
	v7 =	vld [tilespmem:s23+$0x2160];
	[tilespmem:s22+$0xA100] =	vst v6;
	s22 =	sor.u32 $0x70, s30;
	s23 =	sor.u32 s29, s28  }
.Ltmp6:
0xbb: {  	v6 =	vld [tilespmem:s22+$0x2100];
	[tilespmem:s21+$0xA100] =	vst v4;
	v2 =	vmul.f32 $3.200000000e+01, v2;
	(pc) =	sbr.rel @p2 .LBB2_9-.Ltmp6, $4  }
0xbc: {  	v4 =	vld [tilespmem:s23+$0x2100];
	[tilespmem:s21+$0xA110] =	vst v5;
	v3 =	vmul.f32 $3.200000000e+01, v3  }
0xbd: {  	v5 =	vld [tilespmem:s23+$0x2110];
	[tilespmem:s21+$0xA120] =	vst v2;
	v9 =	vmul.f32 $3.200000000e+01, v9  }
0xbe: {  	v2 =	vld [tilespmem:s23+$0x2120];
	[tilespmem:s21+$0xA130] =	vst v3;
	v8 =	vmul.f32 $3.200000000e+01, v8  }
0xbf: {  	s26 =	sadd.s32 $0x400, s26;
	v3 =	vld [tilespmem:s23+$0x2130];
	[tilespmem:s21+$0xA140] =	vst v9;
	v7 =	vmul.f32 $3.200000000e+01, v7  }
0xc0: {  	v9 =	vld [tilespmem:s23+$0x2140];
	v6 =	vmul.f32 $3.200000000e+01, v6;
	[tilespmem:s21+$0xA150] =	vst v8  }
0xc1: {  	v62 =	vld [tilespmem:s23+$0x2150];
	v4 =	vmul.f32 $3.200000000e+01, v4;
	[tilespmem:s21+$0xA160] =	vst v7  }
0xc2: {  	v63 =	vld [tilespmem:s23+$0x2160];
	v5 =	vmul.f32 $3.200000000e+01, v5;
	[tilespmem:s22+$0xA100] =	vst v6  }
0xc3: {  	s21 =	sshll.u32 s20, $0x5;
	[tilespmem:s23+$0xA100] =	vst v4;
	v2 =	vmul.f32 $3.200000000e+01, v2  }
0xc4: {  	s30 =	sadd.s32 s21, s5;
	[tilespmem:s23+$0xA110] =	vst v5;
	v3 =	vmul.f32 $3.200000000e+01, v3  }
0xc5: {  	s22 =	sshll.u32 s30, $0xA;
	[tilespmem:s23+$0xA120] =	vst v2;
	v2 =	vmul.f32 $3.200000000e+01, v9  }
.Ltmp7:
0xc6: {  	s22 =	sadd.s32 s9, s22;
	[tilespmem:s23+$0xA130] =	vst v3;
	v3 =	vmul.f32 $3.200000000e+01, v62;
	(pc) =	sbr.rel @p1 .LBB2_12-.Ltmp7, $4  }
0xc7: {  	s24 =	sadd.s32 $0x2000, s22;
	[tilespmem:s23+$0xA140] =	vst v2;
	v2 =	vmul.f32 $3.200000000e+01, v63  }
0xc8: {  	s24 =	sshrl.u32 s24, $0x3;
	[tilespmem:s23+$0xA150] =	vst v3  }
0xc9: {  	s31 =	sadd.s32 s3, s24;
	[tilespmem:s23+$0xA160] =	vst v2  }
0xca: {  	[hbm4b:s31+s4] =	stream.linear.scatter [tilespmem:s14], [sflag:$0x6], $0x2000, $0x38;
	[tilespmem:$0x10100] =	vst v63  }
.Ltmp8:
0xcb: {  	(pc) =	sbr.rel .LBB2_13-.Ltmp8, $4  }
0xcc: {  	_ = 	snop  }
0xcd: {  	_ =	swait.ge [sflag:s1], $0x2000  }
0xce: {  	[sflag:s1] =	ssyncset.done $0x0  }
0xcf: {  	[sflag:s1] =	ssyncadd.s32 $0xFFFFE000  }
.LBB2_12:
0xd0: {  	s23 =	sand.u32 $0x3FFFFFE0, s21  }
0xd1: {  	v2 =	vld.msk [tilespmem:s23+$0x28], $0xff;
	_ =	sdelay $0x4  }
0xd2: {  	v3 =	vshll.u32 v2, $0x3  }
0xd3: {  	v2 =	vand.u32 $0x7, v2;
	v3 =	vand.u32 $0xFFFFFFC0, v3  }
0xd4: {  	v2 =	vor.u32 v2, v3  }
0xd5: {  	v2 =	vperm.xlane v2, v0;
	_ =	sdelay $0x1  }
0xd6: {  	v2 =	vadd.s32 v1, v2;
	_ =	sdelay $0x3  }
0xd7: {  	s11 =	simm.s32 $0x2100  }
0xd8: {  	[tilespmem:s11], [sflag:$0x2] =	stream.indirect_vreg.gather [hbm4b:s2+s4], $0x80, v2, vm0, $0xb8;
	[tilespmem:$0x10100] =	vst v63  }
0xd9: {  	s29 =	simm.s32 $0x2900  }
0xda: {  	[tilespmem:s29], [sflag:$0x2] =	stream.indirect_vreg.gather [hbm4b:s7+s4], $0x80, v2, vm0, $0xb8;
	[tilespmem:$0x10100] =	vst v63  }
0xdb: {  	s30 =	simm.s32 $0x3100  }
0xdc: {  	[tilespmem:s30], [sflag:$0x2] =	stream.indirect_vreg.gather [hbm4b:s8+s4], $0x80, v2, vm0, $0xb8;
	[tilespmem:$0x10100] =	vst v63  }
.Ltmp9:
0xdd: {  	s31 =	simm.s32 $0x3900;
	(pc) =	sbr.rel @p0 .LBB2_14-.Ltmp9, $4  }
0xde: {  	[tilespmem:s31], [sflag:$0x2] =	stream.indirect_vreg.gather [hbm4b:s10+s4], $0x80, v2, vm0, $0xb8;
	[tilespmem:$0x10100] =	vst v63  }
0xdf: {  	_ =	swait.ge [sflag:s1], $0x2000  }
0xe0: {  	[sflag:s1] =	ssyncset.done $0x0  }
0xe1: {  	[sflag:s1] =	ssyncadd.s32 $0xFFFFE000  }
.LBB2_13:
0xe2: {  	_ =	swait.ge [sflag:s15], $0x2000  }
0xe3: {  	[sflag:s15] =	ssyncset.done $0x0  }
0xe4: {  	[sflag:s15] =	ssyncadd.s32 $0xFFFFE000  }
.LBB2_14:
0xe5: {  	s23 =	simm.s32 $0x0  }
0xe6: {  	s24 =	sand.u32 $0x1C00, s23  }
0xe7: {  	s25 =	sor.u32 s24, s23  }
0xe8: {  	s23 =	sand.u32 $0x380, s23;
	s28 =	sor.u32 $0x70, s25  }
0xe9: {  	s24 =	sor.u32 s23, s24;
	v2 =	vld [tilespmem:s28+$0x4100]  }
0xea: {  	v3 =	vld [tilespmem:s24+$0x4100]  }
0xeb: {  	v4 =	vld [tilespmem:s24+$0x4110]  }
0xec: {  	v5 =	vld [tilespmem:s24+$0x4120]  }
0xed: {  	s30 =	simm.s32 $0x400;
	v7 =	vld [tilespmem:s24+$0x4130]  }
0xee: {  	s26 =	simm.s32 $0x10;
	s23 =	sand.u32 $0x1C00, s30;
	v8 =	vld [tilespmem:s24+$0x4140];
	v2 =	vmul.f32 $3.200000000e+01, v2  }
0xef: {  	s31 =	sor.u32 s23, s26;
	v9 =	vld [tilespmem:s24+$0x4150];
	v3 =	vmul.f32 $3.200000000e+01, v3  }
0xf0: {  	s29 =	sand.u32 $0x380, s26;
	v11 =	vld [tilespmem:s24+$0x4160];
	s25 =	sor.u32 $0x70, s31;
	v10 =	vmul.f32 $3.200000000e+01, v4;
	[tilespmem:s28+$0xC100] =	vst v2  }
0xf1: {  	s23 =	sor.u32 s29, s23;
	v6 =	vld [tilespmem:s25+$0x4100];
	[tilespmem:s24+$0xC100] =	vst v3;
	v2 =	vmul.f32 $3.200000000e+01, v5  }
0xf2: {  	v4 =	vld [tilespmem:s23+$0x4100];
	[tilespmem:s24+$0xC110] =	vst v10;
	v3 =	vmul.f32 $3.200000000e+01, v7  }
0xf3: {  	v5 =	vld [tilespmem:s23+$0x4110];
	v7 =	vmul.f32 $3.200000000e+01, v8;
	[tilespmem:s24+$0xC120] =	vst v2  }
0xf4: {  	v8 =	vmul.f32 $3.200000000e+01, v9;
	v2 =	vld [tilespmem:s23+$0x4120];
	[tilespmem:s24+$0xC130] =	vst v3  }
0xf5: {  	s29 =	simm.s32 $0x800;
	s28 =	simm.s32 $0x8;
	v3 =	vld [tilespmem:s23+$0x4130];
	[tilespmem:s24+$0xC140] =	vst v7;
	v7 =	vmul.f32 $3.200000000e+01, v11  }
.LBB2_15:
0xf6: {  	s30 =	sand.u32 $0x1C00, s29;
	s28 =	sadd.s32 $0x8, s28;
	v9 =	vld [tilespmem:s23+$0x4140];
	v6 =	vmul.f32 $3.200000000e+01, v6;
	s26 =	sadd.s32 $0x10, s26;
	[tilespmem:s24+$0xC150] =	vst v8  }
0xf7: {  	s31 =	sand.u32 $0x380, s26;
	s11 =	sor.u32 s30, s26;
	p2 =	slt.u32 s28, $0x1F8;
	v4 =	vmul.f32 $3.200000000e+01, v4;
	v8 =	vld [tilespmem:s23+$0x4150];
	[tilespmem:s24+$0xC160] =	vst v7  }
0xf8: {  	s24 =	smov.u32 s23;
	v5 =	vmul.f32 $3.200000000e+01, v5;
	v7 =	vld [tilespmem:s23+$0x4160];
	[tilespmem:s25+$0xC100] =	vst v6;
	s25 =	sor.u32 $0x70, s11;
	s23 =	sor.u32 s31, s30  }
.Ltmp10:
0xf9: {  	v6 =	vld [tilespmem:s25+$0x4100];
	[tilespmem:s24+$0xC100] =	vst v4;
	v2 =	vmul.f32 $3.200000000e+01, v2;
	(pc) =	sbr.rel @p2 .LBB2_15-.Ltmp10, $4  }
0xfa: {  	v4 =	vld [tilespmem:s23+$0x4100];
	[tilespmem:s24+$0xC110] =	vst v5;
	v3 =	vmul.f32 $3.200000000e+01, v3  }
0xfb: {  	v5 =	vld [tilespmem:s23+$0x4110];
	[tilespmem:s24+$0xC120] =	vst v2;
	v9 =	vmul.f32 $3.200000000e+01, v9  }
0xfc: {  	v2 =	vld [tilespmem:s23+$0x4120];
	[tilespmem:s24+$0xC130] =	vst v3;
	v8 =	vmul.f32 $3.200000000e+01, v8  }
0xfd: {  	s29 =	sadd.s32 $0x400, s29;
	v3 =	vld [tilespmem:s23+$0x4130];
	[tilespmem:s24+$0xC140] =	vst v9;
	v7 =	vmul.f32 $3.200000000e+01, v7  }
0xfe: {  	v9 =	vld [tilespmem:s23+$0x4140];
	v6 =	vmul.f32 $3.200000000e+01, v6;
	[tilespmem:s24+$0xC150] =	vst v8  }
0xff: {  	v62 =	vld [tilespmem:s23+$0x4150];
	v4 =	vmul.f32 $3.200000000e+01, v4;
	[tilespmem:s24+$0xC160] =	vst v7  }
0x100: {  	v63 =	vld [tilespmem:s23+$0x4160];
	v5 =	vmul.f32 $3.200000000e+01, v5;
	[tilespmem:s25+$0xC100] =	vst v6  }
0x101: {  	[tilespmem:s23+$0xC100] =	vst v4;
	v2 =	vmul.f32 $3.200000000e+01, v2  }
0x102: {  	[tilespmem:s23+$0xC110] =	vst v5;
	v3 =	vmul.f32 $3.200000000e+01, v3  }
0x103: {  	[tilespmem:s23+$0xC120] =	vst v2;
	v2 =	vmul.f32 $3.200000000e+01, v9  }
.Ltmp11:
0x104: {  	[tilespmem:s23+$0xC130] =	vst v3;
	v3 =	vmul.f32 $3.200000000e+01, v62;
	(pc) =	sbr.rel @p1 .LBB2_18-.Ltmp11, $4  }
0x105: {  	s11 =	sadd.s32 $0x4000, s22;
	[tilespmem:s23+$0xC140] =	vst v2;
	v2 =	vmul.f32 $3.200000000e+01, v63  }
0x106: {  	s11 =	sshrl.u32 s11, $0x3;
	[tilespmem:s23+$0xC150] =	vst v3  }
0x107: {  	s11 =	sadd.s32 s3, s11;
	[tilespmem:s23+$0xC160] =	vst v2  }
0x108: {  	[hbm4b:s11+s4] =	stream.linear.scatter [tilespmem:s16], [sflag:$0x7], $0x2000, $0x38;
	[tilespmem:$0x10100] =	vst v63  }
.Ltmp12:
0x109: {  	(pc) =	sbr.rel .LBB2_19-.Ltmp12, $4  }
0x10a: {  	_ = 	snop  }
0x10b: {  	_ =	swait.ge [sflag:s17], $0x2000  }
0x10c: {  	[sflag:s17] =	ssyncset.done $0x0  }
0x10d: {  	[sflag:s17] =	ssyncadd.s32 $0xFFFFE000  }
.LBB2_18:
0x10e: {  	s11 =	sand.u32 $0x3FFFFFE0, s21  }
0x10f: {  	v2 =	vld.msk [tilespmem:s11+$0x30], $0xff;
	_ =	sdelay $0x4  }
0x110: {  	v3 =	vshll.u32 v2, $0x3  }
0x111: {  	v2 =	vand.u32 $0x7, v2;
	v3 =	vand.u32 $0xFFFFFFC0, v3  }
0x112: {  	v2 =	vor.u32 v2, v3  }
0x113: {  	v2 =	vperm.xlane v2, v0;
	_ =	sdelay $0x1  }
0x114: {  	v2 =	vadd.s32 v1, v2;
	_ =	sdelay $0x3  }
0x115: {  	s28 =	simm.s32 $0x4100  }
0x116: {  	[tilespmem:s28], [sflag:$0x3] =	stream.indirect_vreg.gather [hbm4b:s2+s4], $0x80, v2, vm0, $0xb8;
	[tilespmem:$0x10100] =	vst v63  }
0x117: {  	s29 =	simm.s32 $0x4900  }
0x118: {  	[tilespmem:s29], [sflag:$0x3] =	stream.indirect_vreg.gather [hbm4b:s7+s4], $0x80, v2, vm0, $0xb8;
	[tilespmem:$0x10100] =	vst v63  }
0x119: {  	s30 =	simm.s32 $0x5100  }
0x11a: {  	[tilespmem:s30], [sflag:$0x3] =	stream.indirect_vreg.gather [hbm4b:s8+s4], $0x80, v2, vm0, $0xb8;
	[tilespmem:$0x10100] =	vst v63  }
.Ltmp13:
0x11b: {  	s31 =	simm.s32 $0x5900;
	(pc) =	sbr.rel @p0 .LBB2_20-.Ltmp13, $4  }
0x11c: {  	[tilespmem:s31], [sflag:$0x3] =	stream.indirect_vreg.gather [hbm4b:s10+s4], $0x80, v2, vm0, $0xb8;
	[tilespmem:$0x10100] =	vst v63  }
0x11d: {  	_ =	swait.ge [sflag:s17], $0x2000  }
0x11e: {  	[sflag:s17] =	ssyncset.done $0x0  }
0x11f: {  	[sflag:s17] =	ssyncadd.s32 $0xFFFFE000  }
.LBB2_19:
0x120: {  	_ =	swait.ge [sflag:s18], $0x2000  }
0x121: {  	[sflag:s18] =	ssyncset.done $0x0  }
0x122: {  	[sflag:s18] =	ssyncadd.s32 $0xFFFFE000  }
.LBB2_20:
0x123: {  	s11 =	simm.s32 $0x0  }
0x124: {  	s23 =	sand.u32 $0x1C00, s11  }
0x125: {  	s24 =	sor.u32 s23, s11  }
0x126: {  	s11 =	sand.u32 $0x380, s11;
	s28 =	sor.u32 $0x70, s24  }
0x127: {  	s24 =	sor.u32 s11, s23;
	v2 =	vld [tilespmem:s28+$0x6100]  }
0x128: {  	v3 =	vld [tilespmem:s24+$0x6100]  }
0x129: {  	v4 =	vld [tilespmem:s24+$0x6110]  }
0x12a: {  	v5 =	vld [tilespmem:s24+$0x6120]  }
0x12b: {  	s30 =	simm.s32 $0x400;
	v7 =	vld [tilespmem:s24+$0x6130]  }
0x12c: {  	s26 =	simm.s32 $0x10;
	s11 =	sand.u32 $0x1C00, s30;
	v8 =	vld [tilespmem:s24+$0x6140];
	v2 =	vmul.f32 $3.200000000e+01, v2  }
0x12d: {  	s31 =	sor.u32 s11, s26;
	v9 =	vld [tilespmem:s24+$0x6150];
	v3 =	vmul.f32 $3.200000000e+01, v3  }
0x12e: {  	s29 =	sand.u32 $0x380, s26;
	v11 =	vld [tilespmem:s24+$0x6160];
	s25 =	sor.u32 $0x70, s31;
	v10 =	vmul.f32 $3.200000000e+01, v4;
	[tilespmem:s28+$0xE100] =	vst v2  }
0x12f: {  	s23 =	sor.u32 s29, s11;
	v6 =	vld [tilespmem:s25+$0x6100];
	[tilespmem:s24+$0xE100] =	vst v3;
	v2 =	vmul.f32 $3.200000000e+01, v5  }
0x130: {  	v4 =	vld [tilespmem:s23+$0x6100];
	[tilespmem:s24+$0xE110] =	vst v10;
	v3 =	vmul.f32 $3.200000000e+01, v7  }
0x131: {  	v5 =	vld [tilespmem:s23+$0x6110];
	v7 =	vmul.f32 $3.200000000e+01, v8;
	[tilespmem:s24+$0xE120] =	vst v2  }
0x132: {  	v8 =	vmul.f32 $3.200000000e+01, v9;
	v2 =	vld [tilespmem:s23+$0x6120];
	[tilespmem:s24+$0xE130] =	vst v3  }
0x133: {  	s29 =	simm.s32 $0x800;
	s28 =	simm.s32 $0x8;
	v3 =	vld [tilespmem:s23+$0x6130];
	[tilespmem:s24+$0xE140] =	vst v7;
	v7 =	vmul.f32 $3.200000000e+01, v11  }
.LBB2_21:
0x134: {  	s11 =	sand.u32 $0x1C00, s29;
	s28 =	sadd.s32 $0x8, s28;
	v9 =	vld [tilespmem:s23+$0x6140];
	v6 =	vmul.f32 $3.200000000e+01, v6;
	s26 =	sadd.s32 $0x10, s26;
	[tilespmem:s24+$0xE150] =	vst v8  }
0x135: {  	s30 =	sand.u32 $0x380, s26;
	s31 =	sor.u32 s11, s26;
	p0 =	slt.u32 s28, $0x1F8;
	v4 =	vmul.f32 $3.200000000e+01, v4;
	v8 =	vld [tilespmem:s23+$0x6150];
	[tilespmem:s24+$0xE160] =	vst v7  }
0x136: {  	s24 =	smov.u32 s23;
	v5 =	vmul.f32 $3.200000000e+01, v5;
	v7 =	vld [tilespmem:s23+$0x6160];
	[tilespmem:s25+$0xE100] =	vst v6;
	s25 =	sor.u32 $0x70, s31;
	s23 =	sor.u32 s30, s11  }
.Ltmp14:
0x137: {  	v6 =	vld [tilespmem:s25+$0x6100];
	[tilespmem:s24+$0xE100] =	vst v4;
	v2 =	vmul.f32 $3.200000000e+01, v2;
	(pc) =	sbr.rel @p0 .LBB2_21-.Ltmp14, $4  }
0x138: {  	v4 =	vld [tilespmem:s23+$0x6100];
	[tilespmem:s24+$0xE110] =	vst v5;
	v3 =	vmul.f32 $3.200000000e+01, v3  }
0x139: {  	v5 =	vld [tilespmem:s23+$0x6110];
	[tilespmem:s24+$0xE120] =	vst v2;
	v9 =	vmul.f32 $3.200000000e+01, v9  }
0x13a: {  	v2 =	vld [tilespmem:s23+$0x6120];
	[tilespmem:s24+$0xE130] =	vst v3;
	v8 =	vmul.f32 $3.200000000e+01, v8  }
0x13b: {  	s29 =	sadd.s32 $0x400, s29;
	v3 =	vld [tilespmem:s23+$0x6130];
	[tilespmem:s24+$0xE140] =	vst v9;
	v7 =	vmul.f32 $3.200000000e+01, v7  }
0x13c: {  	v9 =	vld [tilespmem:s23+$0x6140];
	v6 =	vmul.f32 $3.200000000e+01, v6;
	[tilespmem:s24+$0xE150] =	vst v8  }
0x13d: {  	v62 =	vld [tilespmem:s23+$0x6150];
	v4 =	vmul.f32 $3.200000000e+01, v4;
	[tilespmem:s24+$0xE160] =	vst v7  }
0x13e: {  	v63 =	vld [tilespmem:s23+$0x6160];
	v5 =	vmul.f32 $3.200000000e+01, v5;
	[tilespmem:s25+$0xE100] =	vst v6  }
0x13f: {  	[tilespmem:s23+$0xE100] =	vst v4;
	v2 =	vmul.f32 $3.200000000e+01, v2  }
0x140: {  	[tilespmem:s23+$0xE110] =	vst v5;
	v3 =	vmul.f32 $3.200000000e+01, v3  }
0x141: {  	p0 =	seq.s32 s20, $0x7;
	[tilespmem:s23+$0xE120] =	vst v2;
	v2 =	vmul.f32 $3.200000000e+01, v9  }
.Ltmp15:
0x142: {  	[tilespmem:s23+$0xE130] =	vst v3;
	v3 =	vmul.f32 $3.200000000e+01, v62;
	(pc) =	sbr.rel @p0 .LBB2_24-.Ltmp15, $4  }
0x143: {  	s11 =	sadd.s32 $0x6000, s22;
	[tilespmem:s23+$0xE140] =	vst v2;
	v2 =	vmul.f32 $3.200000000e+01, v63  }
0x144: {  	s11 =	sshrl.u32 s11, $0x3;
	[tilespmem:s23+$0xE150] =	vst v3  }
0x145: {  	s11 =	sadd.s32 s3, s11;
	[tilespmem:s23+$0xE160] =	vst v2  }
0x146: {  	[hbm4b:s11+s4] =	stream.linear.scatter [tilespmem:s19], [sflag:$0x8], $0x2000, $0x38;
	[tilespmem:$0x10100] =	vst v63  }
0x147: {  	s11 =	sand.u32 $0x3FFFFFE0, s21  }
0x148: {  	v2 =	vld.msk [tilespmem:s11+$0x38], $0xff;
	_ =	sdelay $0x4  }
0x149: {  	v3 =	vshll.u32 v2, $0x3  }
0x14a: {  	v2 =	vand.u32 $0x7, v2;
	v3 =	vand.u32 $0xFFFFFFC0, v3  }
0x14b: {  	v2 =	vor.u32 v2, v3  }
0x14c: {  	v2 =	vperm.xlane v2, v0;
	_ =	sdelay $0x1  }
0x14d: {  	v2 =	vadd.s32 v1, v2;
	_ =	sdelay $0x3  }
0x14e: {  	s28 =	simm.s32 $0x6100  }
0x14f: {  	[tilespmem:s28], [sflag:$0x4] =	stream.indirect_vreg.gather [hbm4b:s2+s4], $0x80, v2, vm0, $0xb8;
	[tilespmem:$0x10100] =	vst v63  }
0x150: {  	s29 =	simm.s32 $0x6900  }
0x151: {  	[tilespmem:s29], [sflag:$0x4] =	stream.indirect_vreg.gather [hbm4b:s7+s4], $0x80, v2, vm0, $0xb8;
	[tilespmem:$0x10100] =	vst v63  }
.Ltmp16:
0x152: {  	_ = 	snop;
	(pc) =	sbr.rel .LBB2_2-.Ltmp16, $4  }
0x153: {  	s30 =	simm.s32 $0x7100  }
0x154: {  	[tilespmem:s30], [sflag:$0x4] =	stream.indirect_vreg.gather [hbm4b:s8+s4], $0x80, v2, vm0, $0xb8;
	[tilespmem:$0x10100] =	vst v63  }
0x155: {  	s31 =	simm.s32 $0x7900;
	s20 =	sadd.s32 $0x1, s20  }
0x156: {  	[tilespmem:s31], [sflag:$0x4] =	stream.indirect_vreg.gather [hbm4b:s10+s4], $0x80, v2, vm0, $0xb8;
	[tilespmem:$0x10100] =	vst v63  }
.LBB2_25:
0x157: {  	_ =	sfence.sel $0x180000  }
0x158: {  	[bflag:$0x0] =	sbarrier.arrive $0xFFFF  }
0x159: {  	_ =	strace $0x90000047  }
0x15a: {  	s0 =	stileid.u32;
	[bflag:$0x2] =	sbarrier.arrive $0xFFFF  }
0x15b: {  	p0 =	sne.s32 s0, $0x0;
	s0 =	rddreg [dreg:$0x3]  }
0x15c: {  	s0 =	sadd.s32 @!p0 $0x100000, s0  }
0x15d: {  	[sflag:s0] =	ssyncadd.tile.s32 @!p0 $0x1;
	_ =	shalt  }
.Lfunc_end2:
_tile_overlayer_lowered:
.L_overlay_start_2:
0x15e: {  	(tag) =	ssettag $0x2  }
0x15f: {  	s0 =	rddreg [dreg:$0x0];
	s2 =	stileid.u32  }
0x160: {  	s1 =	rddreg [dreg:$0x1];
	p0 =	sne.s32 s2, $0x0  }
0x161: {  	s3 =	rddreg [dreg:$0x2];
	[bflag:$0x3] =	sbarrier.arrive $0xFFFF;
	s2 =	simm.s32 @!p0 $0x1C0A  }
0x162: {  	[timem:s3], [sflag:s2] =	dma.local @!p0 [hbm:s0], s1  }
0x163: {  	s0 =	simm.s32 @!p0 $0xA  }
0x164: {  	_ =	swait.ge @!p0 [sflag:s0], s1  }
0x165: {  	s1 =	ssub.s32 @!p0 $0x0, s1;
	[sflag:s0] =	ssyncset.done @!p0 $0x0  }
0x166: {  	[sflag:s0] =	ssyncadd.s32 @!p0 s1  }
0x167: {  	[bflag:$0x3] =	sbarrier.arrive $0xFFFF  }
0x168: {  	_ =	shalt  }

</sc_bundles>
